<compile_context>
chip_gen: v7x
topology: tpu7x:2x2x1
jax: 0.10.2.dev20260603
libtpu: 0.0.44.dev20260713+nightly
codegen_flags: <defaults>
</compile_context>

<pallas_src>
import functools

import jax
import jax.numpy as jnp
from jax import lax
from jax.experimental import pallas as pl
from jax.experimental.pallas import tpu as pltpu
from jax.experimental.pallas import tpu_sc as plsc

BETA = 0.25
BN = 512
KC = 1024
HL = 16


def _cn_kernel(lut_ref, cn_ref):
    lut = lut_ref[...]
    cn_ref[0, :] = jnp.sum(lut * lut, axis=1)


def _argmin_kernel(x_ref, w1_ref, b1_ref, lut_ref, cn_ref, xq_ref, q_ref,
                   d2_s, *, nkc):
    xq = jnp.dot(x_ref[...], w1_ref[...],
                 preferred_element_type=jnp.float32) + b1_ref[...]
    xq_ref[...] = xq
    rown = jnp.sum(xq * xq, axis=1, keepdims=True)
    xq2 = xq + xq

    m2 = None
    for k in range(nkc):
        lut_c = lut_ref[k * KC:(k + 1) * KC, :]
        cn_c = cn_ref[:, k * KC:(k + 1) * KC]
        mm2 = lax.dot_general(xq2, lut_c, (((1,), (1,)), ((), ())),
                              preferred_element_type=jnp.float32)
        d2 = (rown + cn_c) - mm2
        d2_s[:, k * KC:(k + 1) * KC] = d2
        mt = jnp.min(d2, axis=1, keepdims=True)
        m2 = mt if k == 0 else jnp.minimum(m2, mt)

    m2c = jnp.maximum(m2, 0.0)
    s = jnp.sqrt(m2c)
    c0 = s * s
    cb = lax.bitcast_convert_type(c0, jnp.int32)
    hh = m2c
    for off in (-2, -1, 0, 1, 2, 3, 4):
        cand = lax.bitcast_convert_type(cb + off, jnp.float32)
        eq = jnp.sqrt(jnp.maximum(cand, 0.0)) == s
        hh = jnp.where(eq, cand, hh)

    iota = lax.broadcasted_iota(jnp.int32, (1, nkc * KC), 1).astype(jnp.float32)
    idx = jnp.min(jnp.where(d2_s[...] <= hh, iota, jnp.float32(1e9)),
                  axis=1, keepdims=True)
    q_ref[...] = idx.astype(jnp.int32)


def _post_kernel(xq_ref, xe_ref, w2_ref, b2_ref, q_ref,
                 out_ref, loss_ref, perp_ref, acc_s, hist_s, *, n, cd, kdim):
    i = pl.program_id(0)
    nb = pl.num_programs(0)
    xe = xe_ref[...]
    out_ref[...] = jnp.dot(xe, w2_ref[...],
                           preferred_element_type=jnp.float32) + b2_ref[...]
    diff = xq_ref[...] - xe

    @pl.when(i == 0)
    def _():
        acc_s[0] = 0.0
        hist_s[...] = jnp.zeros((kdim // 128, 128), jnp.float32)

    acc_s[0] += jnp.sum(diff * diff)
    q = q_ref[...]
    ohh = (lax.shift_right_logical(q, 7)
           == lax.broadcasted_iota(jnp.int32, (1, kdim // 128), 1)
           ).astype(jnp.float32)
    ohl = ((q & 127)
           == lax.broadcasted_iota(jnp.int32, (1, 128), 1)
           ).astype(jnp.float32)
    hist_s[...] += lax.dot_general(ohh, ohl, (((0,), (0,)), ((), ())),
                                   preferred_element_type=jnp.float32)

    @pl.when(i == nb - 1)
    def _():
        m = acc_s[0] / jnp.float32(n * cd)
        loss_ref[...] = jnp.reshape((1.0 - BETA) * m + BETA * m, (1, 1))
        p = hist_s[...] / jnp.float32(n)
        perp_ref[...] = jnp.reshape(
            jnp.exp(-jnp.sum(p * jnp.log(p + 1e-10))), (1, 1))


def _make_sc_gather(kdim, cd, n):
    info = plsc.get_sparse_core_info()
    nc = info.num_cores
    nw = nc * info.num_subcores
    bpw = n // nw
    hw = bpw // 2
    mesh = plsc.VectorSubcoreMesh(core_axis_name="c", subcore_axis_name="s")

    @functools.partial(
        pl.kernel, mesh=mesh,
        out_type=jax.ShapeDtypeStruct((n, cd), jnp.float32),
        scratch_types=[
            pltpu.VMEM((2, hw), jnp.int32),
            pltpu.VMEM((hw, cd), jnp.float32),
            pltpu.VMEM((hw, cd), jnp.float32),
            pltpu.SemaphoreType.DMA,
        ],
    )
    def gather_k(table_hbm, idx_hbm, xe_hbm, idx2, rows0, rows1, sem):
        c = lax.axis_index("c")
        s = lax.axis_index("s")
        wid = s * nc + c
        base = wid * bpw
        pltpu.sync_copy(idx_hbm.at[pl.ds(base, hw)], idx2.at[0])
        pltpu.sync_copy(idx_hbm.at[pl.ds(base + hw, hw)], idx2.at[1])
        cp0 = pltpu.async_copy(table_hbm.at[idx2.at[0]], rows0, sem)
        cp1 = pltpu.async_copy(table_hbm.at[idx2.at[1]], rows1, sem)
        cp0.wait()
        cp1.wait()
        pltpu.sync_copy(rows0, xe_hbm.at[pl.ds(base, hw)])
        pltpu.sync_copy(rows1, xe_hbm.at[pl.ds(base + hw, hw)])

    return gather_k


def kernel(x, W1, b1, lookup_table, W2, b2):
    b, d, h, w = x.shape
    kdim, cd = lookup_table.shape
    n = b * h * w
    nb = n // BN
    nkc = kdim // KC

    x_flat = x.transpose(0, 2, 3, 1).reshape(n, d)
    b1r = b1.reshape(1, cd)
    b2r = b2.reshape(1, d)

    cn2 = pl.pallas_call(
        _cn_kernel,
        out_shape=jax.ShapeDtypeStruct((1, kdim), jnp.float32),
    )(lookup_table)

    xq, q3 = pl.pallas_call(
        functools.partial(_argmin_kernel, nkc=nkc),
        grid=(nb,),
        in_specs=[
            pl.BlockSpec((BN, d), lambda i: (i, 0)),
            pl.BlockSpec((d, cd), lambda i: (0, 0)),
            pl.BlockSpec((1, cd), lambda i: (0, 0)),
            pl.BlockSpec((kdim, cd), lambda i: (0, 0)),
            pl.BlockSpec((1, kdim), lambda i: (0, 0)),
        ],
        out_specs=[
            pl.BlockSpec((BN, cd), lambda i: (i, 0)),
            pl.BlockSpec((BN, 1), lambda i: (i, 0)),
        ],
        out_shape=[
            jax.ShapeDtypeStruct((n, cd), jnp.float32),
            jax.ShapeDtypeStruct((n, 1), jnp.int32),
        ],
        scratch_shapes=[pltpu.VMEM((BN, kdim), jnp.float32)],
        compiler_params=pltpu.CompilerParams(
            dimension_semantics=("arbitrary",)),
    )(x_flat, W1, b1r, lookup_table, cn2)

    q = q3.reshape(n)
    x_e = _make_sc_gather(kdim, cd, n)(lookup_table, q)

    out_flat, loss2, perp2 = pl.pallas_call(
        functools.partial(_post_kernel, n=n, cd=cd, kdim=kdim),
        grid=(nb,),
        in_specs=[
            pl.BlockSpec((BN, cd), lambda i: (i, 0)),
            pl.BlockSpec((BN, cd), lambda i: (i, 0)),
            pl.BlockSpec((cd, d), lambda i: (0, 0)),
            pl.BlockSpec((1, d), lambda i: (0, 0)),
            pl.BlockSpec((BN, 1), lambda i: (i, 0)),
        ],
        out_specs=[
            pl.BlockSpec((BN, d), lambda i: (i, 0)),
            pl.BlockSpec((1, 1), lambda i: (0, 0)),
            pl.BlockSpec((1, 1), lambda i: (0, 0)),
        ],
        out_shape=[
            jax.ShapeDtypeStruct((n, d), jnp.float32),
            jax.ShapeDtypeStruct((1, 1), jnp.float32),
            jax.ShapeDtypeStruct((1, 1), jnp.float32),
        ],
        scratch_shapes=[pltpu.SMEM((1,), jnp.float32),
                        pltpu.VMEM((kdim // 128, 128), jnp.float32)],
        compiler_params=pltpu.CompilerParams(
            dimension_semantics=("arbitrary",)),
    )(xq, x_e, W2, b2r, q3)

    out = out_flat.reshape(b, h, w, d).transpose(0, 3, 1, 2)
    q_x = q.reshape(b, h, w)
    return out, loss2[0, 0], q_x, perp2[0, 0]

# --- scband reference (transcript-rebuilt; emitter-appended) ---
"""Pipeline reference for scband-codebook-42099269435406 (READ-ONLY COPY).

The authoritative reference and input builder live on the scoring server;
editing this copy changes nothing except your own understanding.
"""

import jax, jax.numpy as jnp
import numpy as np

K = 8192
DIM = 512
CODE_DIM = DIM // 2
BETA = 0.25

def setup_inputs(seed: int = 0) -> dict:
    key = jax.random.key(seed)
    k1, k2, k3, k4, k5, k6 = jax.random.split(key, 6)
    x = jax.random.normal(k1, (8, DIM, 24, 24), dtype=jnp.float32)
    # pre_quant 1x1 conv: weight [out=256, in=512] stored as [in, out] for matmul
    W1 = jax.random.normal(k2, (DIM, CODE_DIM), dtype=jnp.float32) * (1.0 / np.sqrt(DIM))
    b1 = jnp.zeros((CODE_DIM,), dtype=jnp.float32)
    # codebook (xavier-normal-ish)
    lookup_table = jax.random.normal(k3, (K, CODE_DIM), dtype=jnp.float32) * np.sqrt(2.0 / (K + CODE_DIM))
    # post_quant 1x1 conv
    W2 = jax.random.normal(k4, (CODE_DIM, DIM), dtype=jnp.float32) * (1.0 / np.sqrt(CODE_DIM))
    b2 = jnp.zeros((DIM,), dtype=jnp.float32)
    return {"x": x, "W1": W1, "b1": b1, "lookup_table": lookup_table, "W2": W2, "b2": b2}

def reference(x, W1, b1, lookup_table, W2, b2):
    b, d, h, w = x.shape
    cd = lookup_table.shape[1]
    k = lookup_table.shape[0]
    # pre_quant_layer: 1x1 conv == per-pixel matmul (NCHW -> NHWC)
    x_nhwc = jnp.transpose(x, (0, 2, 3, 1))
    xq = x_nhwc @ W1 + b1  # [b,h,w,cd]
    flat = xq.reshape(-1, cd)
    # torch.cdist (p=2)
    d2 = (jnp.sum(flat ** 2, axis=1, keepdims=True)
          + jnp.sum(lookup_table ** 2, axis=1)[None, :]
          - 2.0 * (flat @ lookup_table.T))
    distances = jnp.sqrt(jnp.clip(d2, 0.0, None))
    q = jnp.argmin(distances, axis=1)
    x_e = lookup_table[q].reshape(b, h, w, cd)
    # codebook loss (enable_ema_update == False path)
    codebook_loss = jnp.mean((jax.lax.stop_gradient(xq) - x_e) ** 2)
    commitment_loss = BETA * jnp.mean((xq - jax.lax.stop_gradient(x_e)) ** 2)
    loss = (1.0 - BETA) * codebook_loss + commitment_loss
    # straight-through estimator
    x_st = xq + jax.lax.stop_gradient(x_e - xq)
    # post_quant_layer: 1x1 conv
    out = x_st @ W2 + b2
    out = jnp.transpose(out, (0, 3, 1, 2))  # back to NCHW
    q_x = q.reshape(b, h, w)
    e_mean = jnp.mean(jax.nn.one_hot(q, k, dtype=jnp.float32), axis=0)
    perplexity = jnp.exp(-jnp.sum(e_mean * jnp.log(e_mean + 1e-10)))
    return out, loss, q_x, perplexity

if __name__ == "__main__":
    import jax
    _d = setup_inputs()
    print(jax.jit(kernel)(*tuple(_d.values())))

</pallas_src>

<mosaic_0001>
#map = affine_map<(d0, d1) -> (0, 0)>
#map1 = affine_map<(d0, d1) -> (0)>
module attributes {stable_mosaic.version = 14 : i64} {
  func.func @gather_k(%arg0: i32, %arg1: i32, %arg2: memref<8192x256xf32, #tpu.memory_space<hbm>>, %arg3: memref<4608xi32, #tpu.memory_space<hbm>>, %arg4: memref<4608x256xf32, #tpu.memory_space<hbm>>, %arg5: memref<2x72xi32, #tpu.memory_space<vmem>>, %arg6: memref<72x256xf32, #tpu.memory_space<vmem>>, %arg7: memref<72x256xf32, #tpu.memory_space<vmem>>, %arg8: memref<!tpu.dma_semaphore, #tpu.memory_space<semaphore_mem>>) attributes {dimension_semantics = [#tpu.dimension_semantics<core_parallel>, #tpu.dimension_semantics<subcore_parallel>], iteration_bounds = array<i64: 2, 16>, scalar_prefetch = 0 : i64, scratch_operands = 4 : i64, tpu.core_type = #tpu.core_type<sc_vector_subcore>, window_params = [{transform_indices = #map}, {transform_indices = #map1}, {transform_indices = #map}]} {
    %mul3A = arith.constant 2 : i32
    %mul3A_0 = arith.muli %arg1, %mul3A : i32
    %add3A = arith.addi %mul3A_0, %arg0 : i32
    %mul3A_1 = arith.constant 144 : i32
    %mul3A_2 = arith.muli %add3A, %mul3A_1 : i32
    %run_scoped3A = arith.constant 0 : i32
    "tpu.region"() ({
      %run_scoped3A_34 = tpu.sem_alloc : memref<!tpu.dma_semaphore, #tpu.memory_space<semaphore_mem>>
      %dma_start3A_35 = arith.constant 0 : i32
      %dma_start3A_36 = tpu.memref_slice %arg5[%run_scoped3A, %dma_start3A_35] : memref<2x72xi32, #tpu.memory_space<vmem>> -> memref<1x72xi32, #tpu.memory_space<vmem>>
      %dma_start3A_37 = tpu.memref_squeeze %dma_start3A_36 : memref<1x72xi32, #tpu.memory_space<vmem>> -> memref<72xi32, #tpu.memory_space<vmem>>
      %dma_start3A_38 = tpu.memref_slice %arg3[%mul3A_2] : memref<4608xi32, #tpu.memory_space<hbm>> -> memref<72xi32, #tpu.memory_space<hbm>>
      %dma_start3A_39 = arith.constant 0 : i32
      %dma_start3A_40 = tpu.memref_slice %arg5[%run_scoped3A, %dma_start3A_39] : memref<2x72xi32, #tpu.memory_space<vmem>> -> memref<1x72xi32, #tpu.memory_space<vmem>>
      %dma_start3A_41 = tpu.memref_squeeze %dma_start3A_40 : memref<1x72xi32, #tpu.memory_space<vmem>> -> memref<72xi32, #tpu.memory_space<vmem>>
      %dma_start3A_42 = tpu.memref_slice %arg3[%mul3A_2] : memref<4608xi32, #tpu.memory_space<hbm>> -> memref<72xi32, #tpu.memory_space<hbm>>
      tpu.enqueue_dma source(%dma_start3A_42 : memref<72xi32, #tpu.memory_space<hbm>>) target(%dma_start3A_41 : memref<72xi32, #tpu.memory_space<vmem>>) target_semaphore(%run_scoped3A_34 : memref<!tpu.dma_semaphore, #tpu.memory_space<semaphore_mem>>)
      %dma_wait3A_43 = arith.constant 0 : i32
      %dma_wait3A_44 = tpu.memref_slice %arg5[%run_scoped3A, %dma_wait3A_43] : memref<2x72xi32, #tpu.memory_space<vmem>> -> memref<1x72xi32, #tpu.memory_space<vmem>>
      %dma_wait3A_45 = tpu.memref_squeeze %dma_wait3A_44 : memref<1x72xi32, #tpu.memory_space<vmem>> -> memref<72xi32, #tpu.memory_space<vmem>>
      %dma_wait3A_46 = tpu.memref_slice %arg3[%mul3A_2] : memref<4608xi32, #tpu.memory_space<hbm>> -> memref<72xi32, #tpu.memory_space<hbm>>
      %dma_wait3A_47 = arith.constant 0 : i32
      %dma_wait3A_48 = tpu.memref_slice %arg5[%run_scoped3A, %dma_wait3A_47] : memref<2x72xi32, #tpu.memory_space<vmem>> -> memref<1x72xi32, #tpu.memory_space<vmem>>
      %dma_wait3A_49 = tpu.memref_squeeze %dma_wait3A_48 : memref<1x72xi32, #tpu.memory_space<vmem>> -> memref<72xi32, #tpu.memory_space<vmem>>
      %dma_wait3A_50 = tpu.memref_slice %arg3[%mul3A_2] : memref<4608xi32, #tpu.memory_space<hbm>> -> memref<72xi32, #tpu.memory_space<hbm>>
      tpu.wait_dma2 semaphore(%run_scoped3A_34 : memref<!tpu.dma_semaphore, #tpu.memory_space<semaphore_mem>>) src(%dma_wait3A_50 : memref<72xi32, #tpu.memory_space<hbm>>) dst(%dma_wait3A_49 : memref<72xi32, #tpu.memory_space<vmem>>)
      tpu.yield
    }) : () -> ()
    %add3A_3 = arith.constant 72 : i32
    %add3A_4 = arith.addi %mul3A_2, %add3A_3 : i32
    %run_scoped3A_5 = arith.constant 1 : i32
    "tpu.region"() ({
      %run_scoped3A_34 = tpu.sem_alloc : memref<!tpu.dma_semaphore, #tpu.memory_space<semaphore_mem>>
      %dma_start3A_35 = arith.constant 0 : i32
      %dma_start3A_36 = tpu.memref_slice %arg5[%run_scoped3A_5, %dma_start3A_35] : memref<2x72xi32, #tpu.memory_space<vmem>> -> memref<1x72xi32, #tpu.memory_space<vmem>>
      %dma_start3A_37 = tpu.memref_squeeze %dma_start3A_36 : memref<1x72xi32, #tpu.memory_space<vmem>> -> memref<72xi32, #tpu.memory_space<vmem>>
      %dma_start3A_38 = tpu.memref_slice %arg3[%add3A_4] : memref<4608xi32, #tpu.memory_space<hbm>> -> memref<72xi32, #tpu.memory_space<hbm>>
      %dma_start3A_39 = arith.constant 0 : i32
      %dma_start3A_40 = tpu.memref_slice %arg5[%run_scoped3A_5, %dma_start3A_39] : memref<2x72xi32, #tpu.memory_space<vmem>> -> memref<1x72xi32, #tpu.memory_space<vmem>>
      %dma_start3A_41 = tpu.memref_squeeze %dma_start3A_40 : memref<1x72xi32, #tpu.memory_space<vmem>> -> memref<72xi32, #tpu.memory_space<vmem>>
      %dma_start3A_42 = tpu.memref_slice %arg3[%add3A_4] : memref<4608xi32, #tpu.memory_space<hbm>> -> memref<72xi32, #tpu.memory_space<hbm>>
      tpu.enqueue_dma source(%dma_start3A_42 : memref<72xi32, #tpu.memory_space<hbm>>) target(%dma_start3A_41 : memref<72xi32, #tpu.memory_space<vmem>>) target_semaphore(%run_scoped3A_34 : memref<!tpu.dma_semaphore, #tpu.memory_space<semaphore_mem>>)
      %dma_wait3A_43 = arith.constant 0 : i32
      %dma_wait3A_44 = tpu.memref_slice %arg5[%run_scoped3A_5, %dma_wait3A_43] : memref<2x72xi32, #tpu.memory_space<vmem>> -> memref<1x72xi32, #tpu.memory_space<vmem>>
      %dma_wait3A_45 = tpu.memref_squeeze %dma_wait3A_44 : memref<1x72xi32, #tpu.memory_space<vmem>> -> memref<72xi32, #tpu.memory_space<vmem>>
      %dma_wait3A_46 = tpu.memref_slice %arg3[%add3A_4] : memref<4608xi32, #tpu.memory_space<hbm>> -> memref<72xi32, #tpu.memory_space<hbm>>
      %dma_wait3A_47 = arith.constant 0 : i32
      %dma_wait3A_48 = tpu.memref_slice %arg5[%run_scoped3A_5, %dma_wait3A_47] : memref<2x72xi32, #tpu.memory_space<vmem>> -> memref<1x72xi32, #tpu.memory_space<vmem>>
      %dma_wait3A_49 = tpu.memref_squeeze %dma_wait3A_48 : memref<1x72xi32, #tpu.memory_space<vmem>> -> memref<72xi32, #tpu.memory_space<vmem>>
      %dma_wait3A_50 = tpu.memref_slice %arg3[%add3A_4] : memref<4608xi32, #tpu.memory_space<hbm>> -> memref<72xi32, #tpu.memory_space<hbm>>
      tpu.wait_dma2 semaphore(%run_scoped3A_34 : memref<!tpu.dma_semaphore, #tpu.memory_space<semaphore_mem>>) src(%dma_wait3A_50 : memref<72xi32, #tpu.memory_space<hbm>>) dst(%dma_wait3A_49 : memref<72xi32, #tpu.memory_space<vmem>>)
      tpu.yield
    }) : () -> ()
    %dma_start3A = arith.constant 0 : i32
    %dma_start3A_6 = arith.constant 0 : i32
    %dma_start3A_7 = tpu.memref_slice %arg5[%dma_start3A, %dma_start3A_6] : memref<2x72xi32, #tpu.memory_space<vmem>> -> memref<1x72xi32, #tpu.memory_space<vmem>>
    %dma_start3A_8 = tpu.memref_squeeze %dma_start3A_7 : memref<1x72xi32, #tpu.memory_space<vmem>> -> memref<72xi32, #tpu.memory_space<vmem>>
    %dma_start3A_9 = arith.constant 0 : i32
    %dma_start3A_10 = arith.constant 0 : i32
    %dma_start3A_11 = tpu.memref_slice %arg2[%dma_start3A_9, %dma_start3A_10] : memref<8192x256xf32, #tpu.memory_space<hbm>> -> memref<8192x256xf32, #tpu.memory_space<hbm>>
    tpu.enqueue_indirect_dma source(%dma_start3A_11 : memref<8192x256xf32, #tpu.memory_space<hbm>>) target(%arg6 : memref<72x256xf32, #tpu.memory_space<vmem>>) offsets(%dma_start3A_8 : memref<72xi32, #tpu.memory_space<vmem>>) semaphore(%arg8 : memref<!tpu.dma_semaphore, #tpu.memory_space<semaphore_mem>>)
    %dma_start3A_12 = arith.constant 1 : i32
    %dma_start3A_13 = arith.constant 0 : i32
    %dma_start3A_14 = tpu.memref_slice %arg5[%dma_start3A_12, %dma_start3A_13] : memref<2x72xi32, #tpu.memory_space<vmem>> -> memref<1x72xi32, #tpu.memory_space<vmem>>
    %dma_start3A_15 = tpu.memref_squeeze %dma_start3A_14 : memref<1x72xi32, #tpu.memory_space<vmem>> -> memref<72xi32, #tpu.memory_space<vmem>>
    %dma_start3A_16 = arith.constant 0 : i32
    %dma_start3A_17 = arith.constant 0 : i32
    %dma_start3A_18 = tpu.memref_slice %arg2[%dma_start3A_16, %dma_start3A_17] : memref<8192x256xf32, #tpu.memory_space<hbm>> -> memref<8192x256xf32, #tpu.memory_space<hbm>>
    tpu.enqueue_indirect_dma source(%dma_start3A_18 : memref<8192x256xf32, #tpu.memory_space<hbm>>) target(%arg7 : memref<72x256xf32, #tpu.memory_space<vmem>>) offsets(%dma_start3A_15 : memref<72xi32, #tpu.memory_space<vmem>>) semaphore(%arg8 : memref<!tpu.dma_semaphore, #tpu.memory_space<semaphore_mem>>)
    %dma_wait3A = arith.constant 0 : i32
    %dma_wait3A_19 = arith.constant 0 : i32
    %dma_wait3A_20 = tpu.memref_slice %arg5[%dma_wait3A, %dma_wait3A_19] : memref<2x72xi32, #tpu.memory_space<vmem>> -> memref<1x72xi32, #tpu.memory_space<vmem>>
    %dma_wait3A_21 = tpu.memref_squeeze %dma_wait3A_20 : memref<1x72xi32, #tpu.memory_space<vmem>> -> memref<72xi32, #tpu.memory_space<vmem>>
    %dma_wait3A_22 = arith.constant 0 : i32
    %dma_wait3A_23 = arith.constant 0 : i32
    %dma_wait3A_24 = tpu.memref_slice %arg2[%dma_wait3A_22, %dma_wait3A_23] : memref<8192x256xf32, #tpu.memory_space<hbm>> -> memref<8192x256xf32, #tpu.memory_space<hbm>>
    tpu.wait_indirect_dma semaphore(%arg8 : memref<!tpu.dma_semaphore, #tpu.memory_space<semaphore_mem>>) src(%dma_wait3A_24 : memref<8192x256xf32, #tpu.memory_space<hbm>>) dst(%arg6 : memref<72x256xf32, #tpu.memory_space<vmem>>)
    %dma_wait3A_25 = arith.constant 1 : i32
    %dma_wait3A_26 = arith.constant 0 : i32
    %dma_wait3A_27 = tpu.memref_slice %arg5[%dma_wait3A_25, %dma_wait3A_26] : memref<2x72xi32, #tpu.memory_space<vmem>> -> memref<1x72xi32, #tpu.memory_space<vmem>>
    %dma_wait3A_28 = tpu.memref_squeeze %dma_wait3A_27 : memref<1x72xi32, #tpu.memory_space<vmem>> -> memref<72xi32, #tpu.memory_space<vmem>>
    %dma_wait3A_29 = arith.constant 0 : i32
    %dma_wait3A_30 = arith.constant 0 : i32
    %dma_wait3A_31 = tpu.memref_slice %arg2[%dma_wait3A_29, %dma_wait3A_30] : memref<8192x256xf32, #tpu.memory_space<hbm>> -> memref<8192x256xf32, #tpu.memory_space<hbm>>
    tpu.wait_indirect_dma semaphore(%arg8 : memref<!tpu.dma_semaphore, #tpu.memory_space<semaphore_mem>>) src(%dma_wait3A_31 : memref<8192x256xf32, #tpu.memory_space<hbm>>) dst(%arg7 : memref<72x256xf32, #tpu.memory_space<vmem>>)
    "tpu.region"() ({
      %run_scoped3A_34 = tpu.sem_alloc : memref<!tpu.dma_semaphore, #tpu.memory_space<semaphore_mem>>
      %dma_start3A_35 = arith.constant 0 : i32
      %dma_start3A_36 = tpu.memref_slice %arg4[%mul3A_2, %dma_start3A_35] : memref<4608x256xf32, #tpu.memory_space<hbm>> -> memref<72x256xf32, #tpu.memory_space<hbm>>
      %dma_start3A_37 = arith.constant 0 : i32
      %dma_start3A_38 = tpu.memref_slice %arg4[%mul3A_2, %dma_start3A_37] : memref<4608x256xf32, #tpu.memory_space<hbm>> -> memref<72x256xf32, #tpu.memory_space<hbm>>
      tpu.enqueue_dma source(%arg6 : memref<72x256xf32, #tpu.memory_space<vmem>>) target(%dma_start3A_38 : memref<72x256xf32, #tpu.memory_space<hbm>>) target_semaphore(%run_scoped3A_34 : memref<!tpu.dma_semaphore, #tpu.memory_space<semaphore_mem>>)
      %dma_wait3A_39 = arith.constant 0 : i32
      %dma_wait3A_40 = tpu.memref_slice %arg4[%mul3A_2, %dma_wait3A_39] : memref<4608x256xf32, #tpu.memory_space<hbm>> -> memref<72x256xf32, #tpu.memory_space<hbm>>
      %dma_wait3A_41 = arith.constant 0 : i32
      %dma_wait3A_42 = tpu.memref_slice %arg4[%mul3A_2, %dma_wait3A_41] : memref<4608x256xf32, #tpu.memory_space<hbm>> -> memref<72x256xf32, #tpu.memory_space<hbm>>
      tpu.wait_dma2 semaphore(%run_scoped3A_34 : memref<!tpu.dma_semaphore, #tpu.memory_space<semaphore_mem>>) src(%arg6 : memref<72x256xf32, #tpu.memory_space<vmem>>) dst(%dma_wait3A_42 : memref<72x256xf32, #tpu.memory_space<hbm>>)
      tpu.yield
    }) : () -> ()
    %add3A_32 = arith.constant 72 : i32
    %add3A_33 = arith.addi %mul3A_2, %add3A_32 : i32
    "tpu.region"() ({
      %run_scoped3A_34 = tpu.sem_alloc : memref<!tpu.dma_semaphore, #tpu.memory_space<semaphore_mem>>
      %dma_start3A_35 = arith.constant 0 : i32
      %dma_start3A_36 = tpu.memref_slice %arg4[%add3A_33, %dma_start3A_35] : memref<4608x256xf32, #tpu.memory_space<hbm>> -> memref<72x256xf32, #tpu.memory_space<hbm>>
      %dma_start3A_37 = arith.constant 0 : i32
      %dma_start3A_38 = tpu.memref_slice %arg4[%add3A_33, %dma_start3A_37] : memref<4608x256xf32, #tpu.memory_space<hbm>> -> memref<72x256xf32, #tpu.memory_space<hbm>>
      tpu.enqueue_dma source(%arg7 : memref<72x256xf32, #tpu.memory_space<vmem>>) target(%dma_start3A_38 : memref<72x256xf32, #tpu.memory_space<hbm>>) target_semaphore(%run_scoped3A_34 : memref<!tpu.dma_semaphore, #tpu.memory_space<semaphore_mem>>)
      %dma_wait3A_39 = arith.constant 0 : i32
      %dma_wait3A_40 = tpu.memref_slice %arg4[%add3A_33, %dma_wait3A_39] : memref<4608x256xf32, #tpu.memory_space<hbm>> -> memref<72x256xf32, #tpu.memory_space<hbm>>
      %dma_wait3A_41 = arith.constant 0 : i32
      %dma_wait3A_42 = tpu.memref_slice %arg4[%add3A_33, %dma_wait3A_41] : memref<4608x256xf32, #tpu.memory_space<hbm>> -> memref<72x256xf32, #tpu.memory_space<hbm>>
      tpu.wait_dma2 semaphore(%run_scoped3A_34 : memref<!tpu.dma_semaphore, #tpu.memory_space<semaphore_mem>>) src(%arg7 : memref<72x256xf32, #tpu.memory_space<vmem>>) dst(%dma_wait3A_42 : memref<72x256xf32, #tpu.memory_space<hbm>>)
      tpu.yield
    }) : () -> ()
    return
  }
}

module attributes {stable_mosaic.version = 14 : i64} {
  func.func @_cn_kernel(%arg0: memref<8192x256xf32, #tpu.memory_space<vmem>>, %arg1: memref<1x8192xf32, #tpu.memory_space<vmem>>) attributes {dimension_semantics = [], scalar_prefetch = 0 : i64, scratch_operands = 0 : i64, tpu.core_type = #tpu.core_type<tc>} {
    %get3A = arith.constant 0 : index
    %get3A_0 = arith.constant 0 : index
    %get3A_1 = vector.load %arg0[%get3A, %get3A_0] : memref<8192x256xf32, #tpu.memory_space<vmem>>, vector<8192x256xf32>
    %mul3A = arith.mulf %get3A_1, %get3A_1 : vector<8192x256xf32>
    %reduce_sum3A = arith.constant dense<0.000000e+00> : vector<8192xf32>
    %reduce_sum3A_2 = vector.multi_reduction <add>, %mul3A, %reduce_sum3A [1] : vector<8192x256xf32> to vector<8192xf32>
    %swap3A = arith.constant 0 : index
    %swap3A_3 = arith.constant 0 : index
    %swap3A_4 = vector.load %arg1[%swap3A, %swap3A_3] : memref<1x8192xf32, #tpu.memory_space<vmem>>, vector<1x8192xf32>
    %swap3A_5 = vector.shape_cast %swap3A_4 : vector<1x8192xf32> to vector<8192xf32>
    %swap3A_6 = vector.shape_cast %reduce_sum3A_2 : vector<8192xf32> to vector<1x8192xf32>
    tpu.vector_store %arg1[%swap3A, %swap3A_3], %swap3A_6 {strides = array<i32>} : memref<1x8192xf32, #tpu.memory_space<vmem>>, vector<1x8192xf32>,
    return
  }
}

module attributes {stable_mosaic.version = 14 : i64} {
  func.func @_post_kernel(%arg0: i32, %arg1: memref<512x256xf32, #tpu.memory_space<vmem>>, %arg2: memref<512x256xf32, #tpu.memory_space<vmem>>, %arg3: memref<256x512xf32, #tpu.memory_space<vmem>>, %arg4: memref<1x512xf32, #tpu.memory_space<vmem>>, %arg5: memref<512x1xi32, #tpu.memory_space<vmem>>, %arg6: memref<512x512xf32, #tpu.memory_space<vmem>>, %arg7: memref<1x1xf32, #tpu.memory_space<vmem>>, %arg8: memref<1x1xf32, #tpu.memory_space<vmem>>, %arg9: memref<1xf32, #tpu.memory_space<smem>>, %arg10: memref<64x128xf32, #tpu.memory_space<vmem>>) attributes {dimension_semantics = [#tpu.dimension_semantics<arbitrary>], iteration_bounds = array<i64: 9>, scalar_prefetch = 0 : i64, scratch_operands = 2 : i64, tpu.core_type = #tpu.core_type<tc>, window_params = [{transform_indices = @transform_0, window_bounds = array<i64: 512, 256>}, {transform_indices = @transform_1, window_bounds = array<i64: 512, 256>}, {pipeline_mode = #tpu.pipeline_mode<synchronous>, transform_indices = @transform_2, window_bounds = array<i64: 256, 512>}, {pipeline_mode = #tpu.pipeline_mode<synchronous>, transform_indices = @transform_3, window_bounds = array<i64: 1, 512>}, {transform_indices = @transform_4, window_bounds = array<i64: 512, 1>}, {transform_indices = @transform_5, window_bounds = array<i64: 512, 512>}, {pipeline_mode = #tpu.pipeline_mode<synchronous>, transform_indices = @transform_6, window_bounds = array<i64: 1, 1>}, {pipeline_mode = #tpu.pipeline_mode<synchronous>, transform_indices = @transform_7, window_bounds = array<i64: 1, 1>}]} {
    %get3A = arith.constant 0 : index
    %get3A_0 = arith.constant 0 : index
    %get3A_1 = vector.load %arg2[%get3A, %get3A_0] : memref<512x256xf32, #tpu.memory_space<vmem>>, vector<512x256xf32>
    %get3A_2 = arith.constant 0 : index
    %get3A_3 = arith.constant 0 : index
    %get3A_4 = vector.load %arg3[%get3A_2, %get3A_3] : memref<256x512xf32, #tpu.memory_space<vmem>>, vector<256x512xf32>
    %dot_general3A = arith.constant dense<0.000000e+00> : vector<512x512xf32>
    %dot_general3A_5 = tpu.matmul %get3A_1, %get3A_4, %dot_general3A {dimension_numbers = #tpu.dot_dimension_numbers<[1], [0], [0], [1], [0, 0, 1, 1], [], []>, transpose_lhs_hint = false} : vector<512x256xf32>, vector<256x512xf32>, vector<512x512xf32> -> vector<512x512xf32>
    %get3A_6 = arith.constant 0 : index
    %get3A_7 = arith.constant 0 : index
    %get3A_8 = vector.load %arg4[%get3A_6, %get3A_7] : memref<1x512xf32, #tpu.memory_space<vmem>>, vector<1x512xf32>
    %add3A = vector.broadcast %get3A_8 : vector<1x512xf32> to vector<512x512xf32>
    %add3A_9 = arith.addf %dot_general3A_5, %add3A : vector<512x512xf32>
    %swap3A = arith.constant 0 : index
    %swap3A_10 = arith.constant 0 : index
    %swap3A_11 = vector.load %arg6[%swap3A, %swap3A_10] : memref<512x512xf32, #tpu.memory_space<vmem>>, vector<512x512xf32>
    tpu.vector_store %arg6[%swap3A, %swap3A_10], %add3A_9 {strides = array<i32>} : memref<512x512xf32, #tpu.memory_space<vmem>>, vector<512x512xf32>,
    %get3A_12 = arith.constant 0 : index
    %get3A_13 = arith.constant 0 : index
    %get3A_14 = vector.load %arg1[%get3A_12, %get3A_13] : memref<512x256xf32, #tpu.memory_space<vmem>>, vector<512x256xf32>
    %sub3A = arith.subf %get3A_14, %get3A_1 : vector<512x256xf32>
    %eq3A = arith.constant 0 : i32
    %eq3A_15 = arith.cmpi eq, %arg0, %eq3A : i32
    %convert_element_type3A = arith.extui %eq3A_15 : i1 to i32
    %cond3A = arith.constant 0 : i32
    %cond3A_16 = arith.cmpi ne, %convert_element_type3A, %cond3A : i32
    scf.if %cond3A_16 {
      %swap3A_58 = arith.constant 0.000000e+00 : f32
      %swap3A_59 = arith.constant 0 : index
      %swap3A_60 = memref.load %arg9[%swap3A_59] : memref<1xf32, #tpu.memory_space<smem>>
      memref.store %swap3A_58, %arg9[%swap3A_59] : memref<1xf32, #tpu.memory_space<smem>>
      %broadcast_in_dim3A = arith.constant 0.000000e+00 : f32
      %broadcast_in_dim3A_61 = vector.broadcast %broadcast_in_dim3A : f32 to vector<64x128xf32>
      %swap3A_62 = arith.constant 0 : index
      %swap3A_63 = arith.constant 0 : index
      %swap3A_64 = vector.load %arg10[%swap3A_62, %swap3A_63] : memref<64x128xf32, #tpu.memory_space<vmem>>, vector<64x128xf32>
      tpu.vector_store %arg10[%swap3A_62, %swap3A_63], %broadcast_in_dim3A_61 {strides = array<i32>} : memref<64x128xf32, #tpu.memory_space<vmem>>, vector<64x128xf32>,
    } else {
    }
    %get3A_17 = arith.constant 0 : index
    %get3A_18 = memref.load %arg9[%get3A_17] : memref<1xf32, #tpu.memory_space<smem>>
    %mul3A = arith.mulf %sub3A, %sub3A : vector<512x256xf32>
    %reduce_sum3A = vector.shape_cast %mul3A : vector<512x256xf32> to vector<1x512x256xf32>
    %reduce_sum3A_19 = arith.constant dense<0.000000e+00> : vector<1xf32>
    %reduce_sum3A_20 = vector.multi_reduction <add>, %reduce_sum3A, %reduce_sum3A_19 [1, 2] : vector<1x512x256xf32> to vector<1xf32>
    %reduce_sum3A_21 = vector.shape_cast %reduce_sum3A_20 : vector<1xf32> to vector<1x1x1xf32>
    %reduce_sum3A_22 = vector.extract %reduce_sum3A_21[0, 0, 0] : f32 from vector<1x1x1xf32>
    %add3A_23 = arith.addf %get3A_18, %reduce_sum3A_22 : f32
    %swap3A_24 = arith.constant 0 : index
    %swap3A_25 = memref.load %arg9[%swap3A_24] : memref<1xf32, #tpu.memory_space<smem>>
    memref.store %add3A_23, %arg9[%swap3A_24] : memref<1xf32, #tpu.memory_space<smem>>
    %get3A_26 = arith.constant 0 : index
    %get3A_27 = arith.constant 0 : index
    %get3A_28 = vector.load %arg5[%get3A_26, %get3A_27] : memref<512x1xi32, #tpu.memory_space<vmem>>, vector<512x1xi32>
    %shift_right_logical3A = arith.constant 7 : i32
    %shift_right_logical3A_29 = vector.broadcast %shift_right_logical3A : i32 to vector<512x1xi32>
    %shift_right_logical3A_30 = arith.shrui %get3A_28, %shift_right_logical3A_29 : vector<512x1xi32>
    %iota3A = tpu.iota {dimensions = array<i32: 1>} : vector<1x64xi32>
    %eq3A_31 = vector.broadcast %shift_right_logical3A_30 : vector<512x1xi32> to vector<512x64xi32>
    %eq3A_32 = vector.broadcast %iota3A : vector<1x64xi32> to vector<512x64xi32>
    %eq3A_33 = arith.cmpi eq, %eq3A_31, %eq3A_32 : vector<512x64xi32>
    %convert_element_type3A_34 = arith.extui %eq3A_33 : vector<512x64xi1> to vector<512x64xi32>
    %convert_element_type3A_35 = arith.sitofp %convert_element_type3A_34 : vector<512x64xi32> to vector<512x64xf32>
    %and3A = arith.constant 127 : i32
    %and3A_36 = vector.broadcast %and3A : i32 to vector<512x1xi32>
    %and3A_37 = arith.andi %get3A_28, %and3A_36 : vector<512x1xi32>
    %iota3A_38 = tpu.iota {dimensions = array<i32: 1>} : vector<1x128xi32>
    %eq3A_39 = vector.broadcast %and3A_37 : vector<512x1xi32> to vector<512x128xi32>
    %eq3A_40 = vector.broadcast %iota3A_38 : vector<1x128xi32> to vector<512x128xi32>
    %eq3A_41 = arith.cmpi eq, %eq3A_39, %eq3A_40 : vector<512x128xi32>
    %convert_element_type3A_42 = arith.extui %eq3A_41 : vector<512x128xi1> to vector<512x128xi32>
    %convert_element_type3A_43 = arith.sitofp %convert_element_type3A_42 : vector<512x128xi32> to vector<512x128xf32>
    %get3A_44 = arith.constant 0 : index
    %get3A_45 = arith.constant 0 : index
    %get3A_46 = vector.load %arg10[%get3A_44, %get3A_45] : memref<64x128xf32, #tpu.memory_space<vmem>>, vector<64x128xf32>
    %dot_general3A_47 = arith.constant dense<0.000000e+00> : vector<64x128xf32>
    %dot_general3A_48 = tpu.matmul %convert_element_type3A_35, %convert_element_type3A_43, %dot_general3A_47 {dimension_numbers = #tpu.dot_dimension_numbers<[0], [0], [1], [1], [0, 1, 1, 1], [], []>, transpose_lhs_hint = false} : vector<512x64xf32>, vector<512x128xf32>, vector<64x128xf32> -> vector<64x128xf32>
    %add3A_49 = arith.addf %get3A_46, %dot_general3A_48 : vector<64x128xf32>
    %swap3A_50 = arith.constant 0 : index
    %swap3A_51 = arith.constant 0 : index
    %swap3A_52 = vector.load %arg10[%swap3A_50, %swap3A_51] : memref<64x128xf32, #tpu.memory_space<vmem>>, vector<64x128xf32>
    tpu.vector_store %arg10[%swap3A_50, %swap3A_51], %add3A_49 {strides = array<i32>} : memref<64x128xf32, #tpu.memory_space<vmem>>, vector<64x128xf32>,
    %eq3A_53 = arith.constant 8 : i32
    %eq3A_54 = arith.cmpi eq, %arg0, %eq3A_53 : i32
    %convert_element_type3A_55 = arith.extui %eq3A_54 : i1 to i32
    %cond3A_56 = arith.constant 0 : i32
    %cond3A_57 = arith.cmpi ne, %convert_element_type3A_55, %cond3A_56 : i32
    scf.if %cond3A_57 {
      %get3A_58 = arith.constant 0 : index
      %get3A_59 = memref.load %arg9[%get3A_58] : memref<1xf32, #tpu.memory_space<smem>>
      %div3A = arith.constant 0x49900000 : f32
      %div3A_60 = arith.divf %get3A_59, %div3A : f32
      %mul3A_61 = arith.constant 7.500000e-01 : f32
      %mul3A_62 = arith.mulf %mul3A_61, %div3A_60 : f32
      %mul3A_63 = arith.constant 2.500000e-01 : f32
      %mul3A_64 = arith.mulf %mul3A_63, %div3A_60 : f32
      %add3A_65 = arith.addf %mul3A_62, %mul3A_64 : f32
      %reshape3A = vector.broadcast %add3A_65 : f32 to vector<1x1xf32>
      %swap3A_66 = arith.constant 0 : index
      %swap3A_67 = arith.constant 0 : index
      %swap3A_68 = vector.load %arg7[%swap3A_66, %swap3A_67] : memref<1x1xf32, #tpu.memory_space<vmem>>, vector<1x1xf32>
      tpu.vector_store %arg7[%swap3A_66, %swap3A_67], %reshape3A {strides = array<i32>} : memref<1x1xf32, #tpu.memory_space<vmem>>, vector<1x1xf32>,
      %get3A_69 = arith.constant 0 : index
      %get3A_70 = arith.constant 0 : index
      %get3A_71 = vector.load %arg10[%get3A_69, %get3A_70] : memref<64x128xf32, #tpu.memory_space<vmem>>, vector<64x128xf32>
      %div3A_72 = arith.constant 4.608000e+03 : f32
      %div3A_73 = vector.broadcast %div3A_72 : f32 to vector<64x128xf32>
      %div3A_74 = arith.divf %get3A_71, %div3A_73 : vector<64x128xf32>
      %add3A_75 = arith.constant 1.000000e-10 : f32
      %add3A_76 = vector.broadcast %add3A_75 : f32 to vector<64x128xf32>
      %add3A_77 = arith.addf %div3A_74, %add3A_76 : vector<64x128xf32>
      %log3A = math.log %add3A_77 : vector<64x128xf32>
      %mul3A_78 = arith.mulf %div3A_74, %log3A : vector<64x128xf32>
      %reduce_sum3A_79 = vector.shape_cast %mul3A_78 : vector<64x128xf32> to vector<1x64x128xf32>
      %reduce_sum3A_80 = arith.constant dense<0.000000e+00> : vector<1xf32>
      %reduce_sum3A_81 = vector.multi_reduction <add>, %reduce_sum3A_79, %reduce_sum3A_80 [1, 2] : vector<1x64x128xf32> to vector<1xf32>
      %reduce_sum3A_82 = vector.shape_cast %reduce_sum3A_81 : vector<1xf32> to vector<1x1x1xf32>
      %reduce_sum3A_83 = vector.extract %reduce_sum3A_82[0, 0, 0] : f32 from vector<1x1x1xf32>
      %neg3A = arith.constant 0.000000e+00 : f32
      %neg3A_84 = arith.subf %neg3A, %reduce_sum3A_83 : f32
      %exp3A = math.exp %neg3A_84 : f32
      %reshape3A_85 = vector.broadcast %exp3A : f32 to vector<1x1xf32>
      %swap3A_86 = arith.constant 0 : index
      %swap3A_87 = arith.constant 0 : index
      %swap3A_88 = vector.load %arg8[%swap3A_86, %swap3A_87] : memref<1x1xf32, #tpu.memory_space<vmem>>, vector<1x1xf32>
      tpu.vector_store %arg8[%swap3A_86, %swap3A_87], %reshape3A_85 {strides = array<i32>} : memref<1x1xf32, #tpu.memory_space<vmem>>, vector<1x1xf32>,
    } else {
    }
    return
  }
  func.func @transform_0(%arg0: i32) -> (i32, i32) {
    %c0_i32 = arith.constant 0 : i32
    %c0_i32_0 = arith.constant 0 : i32
    return %arg0, %c0_i32 : i32, i32
  }
  func.func @transform_1(%arg0: i32) -> (i32, i32) {
    %c0_i32 = arith.constant 0 : i32
    %c0_i32_0 = arith.constant 0 : i32
    return %arg0, %c0_i32 : i32, i32
  }
  func.func @transform_2(%arg0: i32) -> (i32, i32) {
    %c0_i32 = arith.constant 0 : i32
    %c0_i32_0 = arith.constant 0 : i32
    %c0_i32_1 = arith.constant 0 : i32
    return %c0_i32, %c0_i32_0 : i32, i32
  }
  func.func @transform_3(%arg0: i32) -> (i32, i32) {
    %c0_i32 = arith.constant 0 : i32
    %c0_i32_0 = arith.constant 0 : i32
    %c0_i32_1 = arith.constant 0 : i32
    return %c0_i32, %c0_i32_0 : i32, i32
  }
  func.func @transform_4(%arg0: i32) -> (i32, i32) {
    %c0_i32 = arith.constant 0 : i32
    %c0_i32_0 = arith.constant 0 : i32
    return %arg0, %c0_i32 : i32, i32
  }
  func.func @transform_5(%arg0: i32) -> (i32, i32) {
    %c0_i32 = arith.constant 0 : i32
    %c0_i32_0 = arith.constant 0 : i32
    return %arg0, %c0_i32 : i32, i32
  }
  func.func @transform_6(%arg0: i32) -> (i32, i32) {
    %c0_i32 = arith.constant 0 : i32
    %c0_i32_0 = arith.constant 0 : i32
    %c0_i32_1 = arith.constant 0 : i32
    return %c0_i32, %c0_i32_0 : i32, i32
  }
  func.func @transform_7(%arg0: i32) -> (i32, i32) {
    %c0_i32 = arith.constant 0 : i32
    %c0_i32_0 = arith.constant 0 : i32
    %c0_i32_1 = arith.constant 0 : i32
    return %c0_i32, %c0_i32_0 : i32, i32
  }
}

module attributes {stable_mosaic.version = 14 : i64} {
  func.func @_argmin_kernel(%arg0: i32, %arg1: memref<512x512xf32, #tpu.memory_space<vmem>>, %arg2: memref<512x256xf32, #tpu.memory_space<vmem>>, %arg3: memref<1x256xf32, #tpu.memory_space<vmem>>, %arg4: memref<8192x256xf32, #tpu.memory_space<vmem>>, %arg5: memref<1x8192xf32, #tpu.memory_space<vmem>>, %arg6: memref<512x256xf32, #tpu.memory_space<vmem>>, %arg7: memref<512x1xi32, #tpu.memory_space<vmem>>, %arg8: memref<512x8192xf32, #tpu.memory_space<vmem>>) attributes {dimension_semantics = [#tpu.dimension_semantics<arbitrary>], iteration_bounds = array<i64: 9>, scalar_prefetch = 0 : i64, scratch_operands = 1 : i64, tpu.core_type = #tpu.core_type<tc>, window_params = [{transform_indices = @transform_0, window_bounds = array<i64: 512, 512>}, {pipeline_mode = #tpu.pipeline_mode<synchronous>, transform_indices = @transform_1, window_bounds = array<i64: 512, 256>}, {pipeline_mode = #tpu.pipeline_mode<synchronous>, transform_indices = @transform_2, window_bounds = array<i64: 1, 256>}, {pipeline_mode = #tpu.pipeline_mode<synchronous>, transform_indices = @transform_3, window_bounds = array<i64: 8192, 256>}, {pipeline_mode = #tpu.pipeline_mode<synchronous>, transform_indices = @transform_4, window_bounds = array<i64: 1, 8192>}, {transform_indices = @transform_5, window_bounds = array<i64: 512, 256>}, {transform_indices = @transform_6, window_bounds = array<i64: 512, 1>}]} {
    %get3A = arith.constant 0 : index
    %get3A_0 = arith.constant 0 : index
    %get3A_1 = vector.load %arg1[%get3A, %get3A_0] : memref<512x512xf32, #tpu.memory_space<vmem>>, vector<512x512xf32>
    %get3A_2 = arith.constant 0 : index
    %get3A_3 = arith.constant 0 : index
    %get3A_4 = vector.load %arg2[%get3A_2, %get3A_3] : memref<512x256xf32, #tpu.memory_space<vmem>>, vector<512x256xf32>
    %dot_general3A = arith.constant dense<0.000000e+00> : vector<512x256xf32>
    %dot_general3A_5 = tpu.matmul %get3A_1, %get3A_4, %dot_general3A {dimension_numbers = #tpu.dot_dimension_numbers<[1], [0], [0], [1], [0, 0, 1, 1], [], []>, transpose_lhs_hint = false} : vector<512x512xf32>, vector<512x256xf32>, vector<512x256xf32> -> vector<512x256xf32>
    %get3A_6 = arith.constant 0 : index
    %get3A_7 = arith.constant 0 : index
    %get3A_8 = vector.load %arg3[%get3A_6, %get3A_7] : memref<1x256xf32, #tpu.memory_space<vmem>>, vector<1x256xf32>
    %add3A = vector.broadcast %get3A_8 : vector<1x256xf32> to vector<512x256xf32>
    %add3A_9 = arith.addf %dot_general3A_5, %add3A : vector<512x256xf32>
    %swap3A = arith.constant 0 : index
    %swap3A_10 = arith.constant 0 : index
    %swap3A_11 = vector.load %arg6[%swap3A, %swap3A_10] : memref<512x256xf32, #tpu.memory_space<vmem>>, vector<512x256xf32>
    tpu.vector_store %arg6[%swap3A, %swap3A_10], %add3A_9 {strides = array<i32>} : memref<512x256xf32, #tpu.memory_space<vmem>>, vector<512x256xf32>,
    %mul3A = arith.mulf %add3A_9, %add3A_9 : vector<512x256xf32>
    %reduce_sum3A = arith.constant dense<0.000000e+00> : vector<512xf32>
    %reduce_sum3A_12 = vector.multi_reduction <add>, %mul3A, %reduce_sum3A [1] : vector<512x256xf32> to vector<512xf32>
    %broadcast_in_dim3A = vector.shape_cast %reduce_sum3A_12 : vector<512xf32> to vector<512x1xf32>
    %add3A_13 = arith.addf %add3A_9, %add3A_9 : vector<512x256xf32>
    %get3A_14 = arith.constant 0 : index
    %get3A_15 = arith.constant 0 : index
    %get3A_16 = vector.load %arg4[%get3A_14, %get3A_15] : memref<8192x256xf32, #tpu.memory_space<vmem>>, vector<1024x256xf32>
    %get3A_17 = arith.constant 0 : index
    %get3A_18 = arith.constant 0 : index
    %get3A_19 = vector.load %arg5[%get3A_17, %get3A_18] : memref<1x8192xf32, #tpu.memory_space<vmem>>, vector<1x1024xf32>
    %dot_general3A_20 = arith.constant dense<0.000000e+00> : vector<512x1024xf32>
    %dot_general3A_21 = tpu.matmul %add3A_13, %get3A_16, %dot_general3A_20 {dimension_numbers = #tpu.dot_dimension_numbers<[1], [1], [0], [0], [0, 0, 1, 0], [], []>, transpose_lhs_hint = false} : vector<512x256xf32>, vector<1024x256xf32>, vector<512x1024xf32> -> vector<512x1024xf32>
    %add3A_22 = vector.broadcast %broadcast_in_dim3A : vector<512x1xf32> to vector<512x1024xf32>
    %add3A_23 = vector.broadcast %get3A_19 : vector<1x1024xf32> to vector<512x1024xf32>
    %add3A_24 = arith.addf %add3A_22, %add3A_23 : vector<512x1024xf32>
    %sub3A = arith.subf %add3A_24, %dot_general3A_21 : vector<512x1024xf32>
    %swap3A_25 = arith.constant 0 : index
    %swap3A_26 = arith.constant 0 : index
    %swap3A_27 = vector.load %arg8[%swap3A_25, %swap3A_26] : memref<512x8192xf32, #tpu.memory_space<vmem>>, vector<512x1024xf32>
    tpu.vector_store %arg8[%swap3A_25, %swap3A_26], %sub3A {strides = array<i32>} : memref<512x8192xf32, #tpu.memory_space<vmem>>, vector<512x1024xf32>,
    %reduce_min3A = arith.constant dense<0x7F800000> : vector<512xf32>
    %reduce_min3A_28 = vector.multi_reduction <minimumf>, %sub3A, %reduce_min3A [1] : vector<512x1024xf32> to vector<512xf32>
    %broadcast_in_dim3A_29 = vector.shape_cast %reduce_min3A_28 : vector<512xf32> to vector<512x1xf32>
    %get3A_30 = arith.constant 1024 : index
    %get3A_31 = arith.constant 0 : index
    %get3A_32 = vector.load %arg4[%get3A_30, %get3A_31] : memref<8192x256xf32, #tpu.memory_space<vmem>>, vector<1024x256xf32>
    %get3A_33 = arith.constant 0 : index
    %get3A_34 = arith.constant 1024 : index
    %get3A_35 = vector.load %arg5[%get3A_33, %get3A_34] : memref<1x8192xf32, #tpu.memory_space<vmem>>, vector<1x1024xf32>
    %dot_general3A_36 = arith.constant dense<0.000000e+00> : vector<512x1024xf32>
    %dot_general3A_37 = tpu.matmul %add3A_13, %get3A_32, %dot_general3A_36 {dimension_numbers = #tpu.dot_dimension_numbers<[1], [1], [0], [0], [0, 0, 1, 0], [], []>, transpose_lhs_hint = false} : vector<512x256xf32>, vector<1024x256xf32>, vector<512x1024xf32> -> vector<512x1024xf32>
    %add3A_38 = vector.broadcast %broadcast_in_dim3A : vector<512x1xf32> to vector<512x1024xf32>
    %add3A_39 = vector.broadcast %get3A_35 : vector<1x1024xf32> to vector<512x1024xf32>
    %add3A_40 = arith.addf %add3A_38, %add3A_39 : vector<512x1024xf32>
    %sub3A_41 = arith.subf %add3A_40, %dot_general3A_37 : vector<512x1024xf32>
    %swap3A_42 = arith.constant 0 : index
    %swap3A_43 = arith.constant 1024 : index
    %swap3A_44 = vector.load %arg8[%swap3A_42, %swap3A_43] : memref<512x8192xf32, #tpu.memory_space<vmem>>, vector<512x1024xf32>
    tpu.vector_store %arg8[%swap3A_42, %swap3A_43], %sub3A_41 {strides = array<i32>} : memref<512x8192xf32, #tpu.memory_space<vmem>>, vector<512x1024xf32>,
    %reduce_min3A_45 = arith.constant dense<0x7F800000> : vector<512xf32>
    %reduce_min3A_46 = vector.multi_reduction <minimumf>, %sub3A_41, %reduce_min3A_45 [1] : vector<512x1024xf32> to vector<512xf32>
    %broadcast_in_dim3A_47 = vector.shape_cast %reduce_min3A_46 : vector<512xf32> to vector<512x1xf32>
    %min3A = arith.minimumf %broadcast_in_dim3A_29, %broadcast_in_dim3A_47 : vector<512x1xf32>
    %get3A_48 = arith.constant 2048 : index
    %get3A_49 = arith.constant 0 : index
    %get3A_50 = vector.load %arg4[%get3A_48, %get3A_49] : memref<8192x256xf32, #tpu.memory_space<vmem>>, vector<1024x256xf32>
    %get3A_51 = arith.constant 0 : index
    %get3A_52 = arith.constant 2048 : index
    %get3A_53 = vector.load %arg5[%get3A_51, %get3A_52] : memref<1x8192xf32, #tpu.memory_space<vmem>>, vector<1x1024xf32>
    %dot_general3A_54 = arith.constant dense<0.000000e+00> : vector<512x1024xf32>
    %dot_general3A_55 = tpu.matmul %add3A_13, %get3A_50, %dot_general3A_54 {dimension_numbers = #tpu.dot_dimension_numbers<[1], [1], [0], [0], [0, 0, 1, 0], [], []>, transpose_lhs_hint = false} : vector<512x256xf32>, vector<1024x256xf32>, vector<512x1024xf32> -> vector<512x1024xf32>
    %add3A_56 = vector.broadcast %broadcast_in_dim3A : vector<512x1xf32> to vector<512x1024xf32>
    %add3A_57 = vector.broadcast %get3A_53 : vector<1x1024xf32> to vector<512x1024xf32>
    %add3A_58 = arith.addf %add3A_56, %add3A_57 : vector<512x1024xf32>
    %sub3A_59 = arith.subf %add3A_58, %dot_general3A_55 : vector<512x1024xf32>
    %swap3A_60 = arith.constant 0 : index
    %swap3A_61 = arith.constant 2048 : index
    %swap3A_62 = vector.load %arg8[%swap3A_60, %swap3A_61] : memref<512x8192xf32, #tpu.memory_space<vmem>>, vector<512x1024xf32>
    tpu.vector_store %arg8[%swap3A_60, %swap3A_61], %sub3A_59 {strides = array<i32>} : memref<512x8192xf32, #tpu.memory_space<vmem>>, vector<512x1024xf32>,
    %reduce_min3A_63 = arith.constant dense<0x7F800000> : vector<512xf32>
    %reduce_min3A_64 = vector.multi_reduction <minimumf>, %sub3A_59, %reduce_min3A_63 [1] : vector<512x1024xf32> to vector<512xf32>
    %broadcast_in_dim3A_65 = vector.shape_cast %reduce_min3A_64 : vector<512xf32> to vector<512x1xf32>
    %min3A_66 = arith.minimumf %min3A, %broadcast_in_dim3A_65 : vector<512x1xf32>
    %get3A_67 = arith.constant 3072 : index
    %get3A_68 = arith.constant 0 : index
    %get3A_69 = vector.load %arg4[%get3A_67, %get3A_68] : memref<8192x256xf32, #tpu.memory_space<vmem>>, vector<1024x256xf32>
    %get3A_70 = arith.constant 0 : index
    %get3A_71 = arith.constant 3072 : index
    %get3A_72 = vector.load %arg5[%get3A_70, %get3A_71] : memref<1x8192xf32, #tpu.memory_space<vmem>>, vector<1x1024xf32>
    %dot_general3A_73 = arith.constant dense<0.000000e+00> : vector<512x1024xf32>
    %dot_general3A_74 = tpu.matmul %add3A_13, %get3A_69, %dot_general3A_73 {dimension_numbers = #tpu.dot_dimension_numbers<[1], [1], [0], [0], [0, 0, 1, 0], [], []>, transpose_lhs_hint = false} : vector<512x256xf32>, vector<1024x256xf32>, vector<512x1024xf32> -> vector<512x1024xf32>
    %add3A_75 = vector.broadcast %broadcast_in_dim3A : vector<512x1xf32> to vector<512x1024xf32>
    %add3A_76 = vector.broadcast %get3A_72 : vector<1x1024xf32> to vector<512x1024xf32>
    %add3A_77 = arith.addf %add3A_75, %add3A_76 : vector<512x1024xf32>
    %sub3A_78 = arith.subf %add3A_77, %dot_general3A_74 : vector<512x1024xf32>
    %swap3A_79 = arith.constant 0 : index
    %swap3A_80 = arith.constant 3072 : index
    %swap3A_81 = vector.load %arg8[%swap3A_79, %swap3A_80] : memref<512x8192xf32, #tpu.memory_space<vmem>>, vector<512x1024xf32>
    tpu.vector_store %arg8[%swap3A_79, %swap3A_80], %sub3A_78 {strides = array<i32>} : memref<512x8192xf32, #tpu.memory_space<vmem>>, vector<512x1024xf32>,
    %reduce_min3A_82 = arith.constant dense<0x7F800000> : vector<512xf32>
    %reduce_min3A_83 = vector.multi_reduction <minimumf>, %sub3A_78, %reduce_min3A_82 [1] : vector<512x1024xf32> to vector<512xf32>
    %broadcast_in_dim3A_84 = vector.shape_cast %reduce_min3A_83 : vector<512xf32> to vector<512x1xf32>
    %min3A_85 = arith.minimumf %min3A_66, %broadcast_in_dim3A_84 : vector<512x1xf32>
    %get3A_86 = arith.constant 4096 : index
    %get3A_87 = arith.constant 0 : index
    %get3A_88 = vector.load %arg4[%get3A_86, %get3A_87] : memref<8192x256xf32, #tpu.memory_space<vmem>>, vector<1024x256xf32>
    %get3A_89 = arith.constant 0 : index
    %get3A_90 = arith.constant 4096 : index
    %get3A_91 = vector.load %arg5[%get3A_89, %get3A_90] : memref<1x8192xf32, #tpu.memory_space<vmem>>, vector<1x1024xf32>
    %dot_general3A_92 = arith.constant dense<0.000000e+00> : vector<512x1024xf32>
    %dot_general3A_93 = tpu.matmul %add3A_13, %get3A_88, %dot_general3A_92 {dimension_numbers = #tpu.dot_dimension_numbers<[1], [1], [0], [0], [0, 0, 1, 0], [], []>, transpose_lhs_hint = false} : vector<512x256xf32>, vector<1024x256xf32>, vector<512x1024xf32> -> vector<512x1024xf32>
    %add3A_94 = vector.broadcast %broadcast_in_dim3A : vector<512x1xf32> to vector<512x1024xf32>
    %add3A_95 = vector.broadcast %get3A_91 : vector<1x1024xf32> to vector<512x1024xf32>
    %add3A_96 = arith.addf %add3A_94, %add3A_95 : vector<512x1024xf32>
    %sub3A_97 = arith.subf %add3A_96, %dot_general3A_93 : vector<512x1024xf32>
    %swap3A_98 = arith.constant 0 : index
    %swap3A_99 = arith.constant 4096 : index
    %swap3A_100 = vector.load %arg8[%swap3A_98, %swap3A_99] : memref<512x8192xf32, #tpu.memory_space<vmem>>, vector<512x1024xf32>
    tpu.vector_store %arg8[%swap3A_98, %swap3A_99], %sub3A_97 {strides = array<i32>} : memref<512x8192xf32, #tpu.memory_space<vmem>>, vector<512x1024xf32>,
    %reduce_min3A_101 = arith.constant dense<0x7F800000> : vector<512xf32>
    %reduce_min3A_102 = vector.multi_reduction <minimumf>, %sub3A_97, %reduce_min3A_101 [1] : vector<512x1024xf32> to vector<512xf32>
    %broadcast_in_dim3A_103 = vector.shape_cast %reduce_min3A_102 : vector<512xf32> to vector<512x1xf32>
    %min3A_104 = arith.minimumf %min3A_85, %broadcast_in_dim3A_103 : vector<512x1xf32>
    %get3A_105 = arith.constant 5120 : index
    %get3A_106 = arith.constant 0 : index
    %get3A_107 = vector.load %arg4[%get3A_105, %get3A_106] : memref<8192x256xf32, #tpu.memory_space<vmem>>, vector<1024x256xf32>
    %get3A_108 = arith.constant 0 : index
    %get3A_109 = arith.constant 5120 : index
    %get3A_110 = vector.load %arg5[%get3A_108, %get3A_109] : memref<1x8192xf32, #tpu.memory_space<vmem>>, vector<1x1024xf32>
    %dot_general3A_111 = arith.constant dense<0.000000e+00> : vector<512x1024xf32>
    %dot_general3A_112 = tpu.matmul %add3A_13, %get3A_107, %dot_general3A_111 {dimension_numbers = #tpu.dot_dimension_numbers<[1], [1], [0], [0], [0, 0, 1, 0], [], []>, transpose_lhs_hint = false} : vector<512x256xf32>, vector<1024x256xf32>, vector<512x1024xf32> -> vector<512x1024xf32>
    %add3A_113 = vector.broadcast %broadcast_in_dim3A : vector<512x1xf32> to vector<512x1024xf32>
    %add3A_114 = vector.broadcast %get3A_110 : vector<1x1024xf32> to vector<512x1024xf32>
    %add3A_115 = arith.addf %add3A_113, %add3A_114 : vector<512x1024xf32>
    %sub3A_116 = arith.subf %add3A_115, %dot_general3A_112 : vector<512x1024xf32>
    %swap3A_117 = arith.constant 0 : index
    %swap3A_118 = arith.constant 5120 : index
    %swap3A_119 = vector.load %arg8[%swap3A_117, %swap3A_118] : memref<512x8192xf32, #tpu.memory_space<vmem>>, vector<512x1024xf32>
    tpu.vector_store %arg8[%swap3A_117, %swap3A_118], %sub3A_116 {strides = array<i32>} : memref<512x8192xf32, #tpu.memory_space<vmem>>, vector<512x1024xf32>,
    %reduce_min3A_120 = arith.constant dense<0x7F800000> : vector<512xf32>
    %reduce_min3A_121 = vector.multi_reduction <minimumf>, %sub3A_116, %reduce_min3A_120 [1] : vector<512x1024xf32> to vector<512xf32>
    %broadcast_in_dim3A_122 = vector.shape_cast %reduce_min3A_121 : vector<512xf32> to vector<512x1xf32>
    %min3A_123 = arith.minimumf %min3A_104, %broadcast_in_dim3A_122 : vector<512x1xf32>
    %get3A_124 = arith.constant 6144 : index
    %get3A_125 = arith.constant 0 : index
    %get3A_126 = vector.load %arg4[%get3A_124, %get3A_125] : memref<8192x256xf32, #tpu.memory_space<vmem>>, vector<1024x256xf32>
    %get3A_127 = arith.constant 0 : index
    %get3A_128 = arith.constant 6144 : index
    %get3A_129 = vector.load %arg5[%get3A_127, %get3A_128] : memref<1x8192xf32, #tpu.memory_space<vmem>>, vector<1x1024xf32>
    %dot_general3A_130 = arith.constant dense<0.000000e+00> : vector<512x1024xf32>
    %dot_general3A_131 = tpu.matmul %add3A_13, %get3A_126, %dot_general3A_130 {dimension_numbers = #tpu.dot_dimension_numbers<[1], [1], [0], [0], [0, 0, 1, 0], [], []>, transpose_lhs_hint = false} : vector<512x256xf32>, vector<1024x256xf32>, vector<512x1024xf32> -> vector<512x1024xf32>
    %add3A_132 = vector.broadcast %broadcast_in_dim3A : vector<512x1xf32> to vector<512x1024xf32>
    %add3A_133 = vector.broadcast %get3A_129 : vector<1x1024xf32> to vector<512x1024xf32>
    %add3A_134 = arith.addf %add3A_132, %add3A_133 : vector<512x1024xf32>
    %sub3A_135 = arith.subf %add3A_134, %dot_general3A_131 : vector<512x1024xf32>
    %swap3A_136 = arith.constant 0 : index
    %swap3A_137 = arith.constant 6144 : index
    %swap3A_138 = vector.load %arg8[%swap3A_136, %swap3A_137] : memref<512x8192xf32, #tpu.memory_space<vmem>>, vector<512x1024xf32>
    tpu.vector_store %arg8[%swap3A_136, %swap3A_137], %sub3A_135 {strides = array<i32>} : memref<512x8192xf32, #tpu.memory_space<vmem>>, vector<512x1024xf32>,
    %reduce_min3A_139 = arith.constant dense<0x7F800000> : vector<512xf32>
    %reduce_min3A_140 = vector.multi_reduction <minimumf>, %sub3A_135, %reduce_min3A_139 [1] : vector<512x1024xf32> to vector<512xf32>
    %broadcast_in_dim3A_141 = vector.shape_cast %reduce_min3A_140 : vector<512xf32> to vector<512x1xf32>
    %min3A_142 = arith.minimumf %min3A_123, %broadcast_in_dim3A_141 : vector<512x1xf32>
    %get3A_143 = arith.constant 7168 : index
    %get3A_144 = arith.constant 0 : index
    %get3A_145 = vector.load %arg4[%get3A_143, %get3A_144] : memref<8192x256xf32, #tpu.memory_space<vmem>>, vector<1024x256xf32>
    %get3A_146 = arith.constant 0 : index
    %get3A_147 = arith.constant 7168 : index
    %get3A_148 = vector.load %arg5[%get3A_146, %get3A_147] : memref<1x8192xf32, #tpu.memory_space<vmem>>, vector<1x1024xf32>
    %dot_general3A_149 = arith.constant dense<0.000000e+00> : vector<512x1024xf32>
    %dot_general3A_150 = tpu.matmul %add3A_13, %get3A_145, %dot_general3A_149 {dimension_numbers = #tpu.dot_dimension_numbers<[1], [1], [0], [0], [0, 0, 1, 0], [], []>, transpose_lhs_hint = false} : vector<512x256xf32>, vector<1024x256xf32>, vector<512x1024xf32> -> vector<512x1024xf32>
    %add3A_151 = vector.broadcast %broadcast_in_dim3A : vector<512x1xf32> to vector<512x1024xf32>
    %add3A_152 = vector.broadcast %get3A_148 : vector<1x1024xf32> to vector<512x1024xf32>
    %add3A_153 = arith.addf %add3A_151, %add3A_152 : vector<512x1024xf32>
    %sub3A_154 = arith.subf %add3A_153, %dot_general3A_150 : vector<512x1024xf32>
    %swap3A_155 = arith.constant 0 : index
    %swap3A_156 = arith.constant 7168 : index
    %swap3A_157 = vector.load %arg8[%swap3A_155, %swap3A_156] : memref<512x8192xf32, #tpu.memory_space<vmem>>, vector<512x1024xf32>
    tpu.vector_store %arg8[%swap3A_155, %swap3A_156], %sub3A_154 {strides = array<i32>} : memref<512x8192xf32, #tpu.memory_space<vmem>>, vector<512x1024xf32>,
    %reduce_min3A_158 = arith.constant dense<0x7F800000> : vector<512xf32>
    %reduce_min3A_159 = vector.multi_reduction <minimumf>, %sub3A_154, %reduce_min3A_158 [1] : vector<512x1024xf32> to vector<512xf32>
    %broadcast_in_dim3A_160 = vector.shape_cast %reduce_min3A_159 : vector<512xf32> to vector<512x1xf32>
    %min3A_161 = arith.minimumf %min3A_142, %broadcast_in_dim3A_160 : vector<512x1xf32>
    %max3A = arith.constant 0.000000e+00 : f32
    %max3A_162 = vector.broadcast %max3A : f32 to vector<512x1xf32>
    %max3A_163 = arith.maximumf %min3A_161, %max3A_162 : vector<512x1xf32>
    %sqrt3A = math.sqrt %max3A_163 : vector<512x1xf32>
    %mul3A_164 = arith.mulf %sqrt3A, %sqrt3A : vector<512x1xf32>
    %bitcast_convert_type3A = tpu.bitcast %mul3A_164 : vector<512x1xf32> -> vector<512x1xi32>
    %add3A_165 = arith.constant -2 : i32
    %add3A_166 = vector.broadcast %add3A_165 : i32 to vector<512x1xi32>
    %add3A_167 = arith.addi %bitcast_convert_type3A, %add3A_166 : vector<512x1xi32>
    %bitcast_convert_type3A_168 = tpu.bitcast %add3A_167 : vector<512x1xi32> -> vector<512x1xf32>
    %max3A_169 = arith.constant 0.000000e+00 : f32
    %max3A_170 = vector.broadcast %max3A_169 : f32 to vector<512x1xf32>
    %max3A_171 = arith.maximumf %bitcast_convert_type3A_168, %max3A_170 : vector<512x1xf32>
    %sqrt3A_172 = math.sqrt %max3A_171 : vector<512x1xf32>
    %eq3A = arith.cmpf oeq, %sqrt3A_172, %sqrt3A : vector<512x1xf32>
    %select_n3A = arith.select %eq3A, %bitcast_convert_type3A_168, %max3A_163 : vector<512x1xi1>, vector<512x1xf32>
    %add3A_173 = arith.constant -1 : i32
    %add3A_174 = vector.broadcast %add3A_173 : i32 to vector<512x1xi32>
    %add3A_175 = arith.addi %bitcast_convert_type3A, %add3A_174 : vector<512x1xi32>
    %bitcast_convert_type3A_176 = tpu.bitcast %add3A_175 : vector<512x1xi32> -> vector<512x1xf32>
    %max3A_177 = arith.constant 0.000000e+00 : f32
    %max3A_178 = vector.broadcast %max3A_177 : f32 to vector<512x1xf32>
    %max3A_179 = arith.maximumf %bitcast_convert_type3A_176, %max3A_178 : vector<512x1xf32>
    %sqrt3A_180 = math.sqrt %max3A_179 : vector<512x1xf32>
    %eq3A_181 = arith.cmpf oeq, %sqrt3A_180, %sqrt3A : vector<512x1xf32>
    %select_n3A_182 = arith.select %eq3A_181, %bitcast_convert_type3A_176, %select_n3A : vector<512x1xi1>, vector<512x1xf32>
    %add3A_183 = arith.constant 0 : i32
    %add3A_184 = vector.broadcast %add3A_183 : i32 to vector<512x1xi32>
    %add3A_185 = arith.addi %bitcast_convert_type3A, %add3A_184 : vector<512x1xi32>
    %bitcast_convert_type3A_186 = tpu.bitcast %add3A_185 : vector<512x1xi32> -> vector<512x1xf32>
    %max3A_187 = arith.constant 0.000000e+00 : f32
    %max3A_188 = vector.broadcast %max3A_187 : f32 to vector<512x1xf32>
    %max3A_189 = arith.maximumf %bitcast_convert_type3A_186, %max3A_188 : vector<512x1xf32>
    %sqrt3A_190 = math.sqrt %max3A_189 : vector<512x1xf32>
    %eq3A_191 = arith.cmpf oeq, %sqrt3A_190, %sqrt3A : vector<512x1xf32>
    %select_n3A_192 = arith.select %eq3A_191, %bitcast_convert_type3A_186, %select_n3A_182 : vector<512x1xi1>, vector<512x1xf32>
    %add3A_193 = arith.constant 1 : i32
    %add3A_194 = vector.broadcast %add3A_193 : i32 to vector<512x1xi32>
    %add3A_195 = arith.addi %bitcast_convert_type3A, %add3A_194 : vector<512x1xi32>
    %bitcast_convert_type3A_196 = tpu.bitcast %add3A_195 : vector<512x1xi32> -> vector<512x1xf32>
    %max3A_197 = arith.constant 0.000000e+00 : f32
    %max3A_198 = vector.broadcast %max3A_197 : f32 to vector<512x1xf32>
    %max3A_199 = arith.maximumf %bitcast_convert_type3A_196, %max3A_198 : vector<512x1xf32>
    %sqrt3A_200 = math.sqrt %max3A_199 : vector<512x1xf32>
    %eq3A_201 = arith.cmpf oeq, %sqrt3A_200, %sqrt3A : vector<512x1xf32>
    %select_n3A_202 = arith.select %eq3A_201, %bitcast_convert_type3A_196, %select_n3A_192 : vector<512x1xi1>, vector<512x1xf32>
    %add3A_203 = arith.constant 2 : i32
    %add3A_204 = vector.broadcast %add3A_203 : i32 to vector<512x1xi32>
    %add3A_205 = arith.addi %bitcast_convert_type3A, %add3A_204 : vector<512x1xi32>
    %bitcast_convert_type3A_206 = tpu.bitcast %add3A_205 : vector<512x1xi32> -> vector<512x1xf32>
    %max3A_207 = arith.constant 0.000000e+00 : f32
    %max3A_208 = vector.broadcast %max3A_207 : f32 to vector<512x1xf32>
    %max3A_209 = arith.maximumf %bitcast_convert_type3A_206, %max3A_208 : vector<512x1xf32>
    %sqrt3A_210 = math.sqrt %max3A_209 : vector<512x1xf32>
    %eq3A_211 = arith.cmpf oeq, %sqrt3A_210, %sqrt3A : vector<512x1xf32>
    %select_n3A_212 = arith.select %eq3A_211, %bitcast_convert_type3A_206, %select_n3A_202 : vector<512x1xi1>, vector<512x1xf32>
    %add3A_213 = arith.constant 3 : i32
    %add3A_214 = vector.broadcast %add3A_213 : i32 to vector<512x1xi32>
    %add3A_215 = arith.addi %bitcast_convert_type3A, %add3A_214 : vector<512x1xi32>
    %bitcast_convert_type3A_216 = tpu.bitcast %add3A_215 : vector<512x1xi32> -> vector<512x1xf32>
    %max3A_217 = arith.constant 0.000000e+00 : f32
    %max3A_218 = vector.broadcast %max3A_217 : f32 to vector<512x1xf32>
    %max3A_219 = arith.maximumf %bitcast_convert_type3A_216, %max3A_218 : vector<512x1xf32>
    %sqrt3A_220 = math.sqrt %max3A_219 : vector<512x1xf32>
    %eq3A_221 = arith.cmpf oeq, %sqrt3A_220, %sqrt3A : vector<512x1xf32>
    %select_n3A_222 = arith.select %eq3A_221, %bitcast_convert_type3A_216, %select_n3A_212 : vector<512x1xi1>, vector<512x1xf32>
    %add3A_223 = arith.constant 4 : i32
    %add3A_224 = vector.broadcast %add3A_223 : i32 to vector<512x1xi32>
    %add3A_225 = arith.addi %bitcast_convert_type3A, %add3A_224 : vector<512x1xi32>
    %bitcast_convert_type3A_226 = tpu.bitcast %add3A_225 : vector<512x1xi32> -> vector<512x1xf32>
    %max3A_227 = arith.constant 0.000000e+00 : f32
    %max3A_228 = vector.broadcast %max3A_227 : f32 to vector<512x1xf32>
    %max3A_229 = arith.maximumf %bitcast_convert_type3A_226, %max3A_228 : vector<512x1xf32>
    %sqrt3A_230 = math.sqrt %max3A_229 : vector<512x1xf32>
    %eq3A_231 = arith.cmpf oeq, %sqrt3A_230, %sqrt3A : vector<512x1xf32>
    %select_n3A_232 = arith.select %eq3A_231, %bitcast_convert_type3A_226, %select_n3A_222 : vector<512x1xi1>, vector<512x1xf32>
    %iota3A = tpu.iota {dimensions = array<i32: 1>} : vector<1x8192xi32>
    %convert_element_type3A = arith.sitofp %iota3A : vector<1x8192xi32> to vector<1x8192xf32>
    %get3A_233 = arith.constant 0 : index
    %get3A_234 = arith.constant 0 : index
    %get3A_235 = vector.load %arg8[%get3A_233, %get3A_234] : memref<512x8192xf32, #tpu.memory_space<vmem>>, vector<512x8192xf32>
    %le3A = vector.broadcast %select_n3A_232 : vector<512x1xf32> to vector<512x8192xf32>
    %le3A_236 = arith.cmpf ole, %get3A_235, %le3A : vector<512x8192xf32>
    %jit3A = arith.constant 1.000000e+09 : f32
    %broadcast_in_dim3A_237 = vector.shape_cast %convert_element_type3A : vector<1x8192xf32> to vector<1x8192xf32>
    %broadcast_in_dim3A_238 = vector.broadcast %broadcast_in_dim3A_237 : vector<1x8192xf32> to vector<512x8192xf32>
    %broadcast_in_dim3A_239 = vector.broadcast %jit3A : f32 to vector<512x8192xf32>
    %select_n3A_240 = arith.select %le3A_236, %broadcast_in_dim3A_238, %broadcast_in_dim3A_239 : vector<512x8192xi1>, vector<512x8192xf32>
    %reduce_min3A_241 = arith.constant dense<0x7F800000> : vector<512xf32>
    %reduce_min3A_242 = vector.multi_reduction <minimumf>, %select_n3A_240, %reduce_min3A_241 [1] : vector<512x8192xf32> to vector<512xf32>
    %broadcast_in_dim3A_243 = vector.shape_cast %reduce_min3A_242 : vector<512xf32> to vector<512x1xf32>
    %convert_element_type3A_244 = arith.fptosi %broadcast_in_dim3A_243 : vector<512x1xf32> to vector<512x1xi32>
    %swap3A_245 = arith.constant 0 : index
    %swap3A_246 = arith.constant 0 : index
    %swap3A_247 = vector.load %arg7[%swap3A_245, %swap3A_246] : memref<512x1xi32, #tpu.memory_space<vmem>>, vector<512x1xi32>
    tpu.vector_store %arg7[%swap3A_245, %swap3A_246], %convert_element_type3A_244 {strides = array<i32>} : memref<512x1xi32, #tpu.memory_space<vmem>>, vector<512x1xi32>,
    return
  }
  func.func @transform_0(%arg0: i32) -> (i32, i32) {
    %c0_i32 = arith.constant 0 : i32
    %c0_i32_0 = arith.constant 0 : i32
    return %arg0, %c0_i32 : i32, i32
  }
  func.func @transform_1(%arg0: i32) -> (i32, i32) {
    %c0_i32 = arith.constant 0 : i32
    %c0_i32_0 = arith.constant 0 : i32
    %c0_i32_1 = arith.constant 0 : i32
    return %c0_i32, %c0_i32_0 : i32, i32
  }
  func.func @transform_2(%arg0: i32) -> (i32, i32) {
    %c0_i32 = arith.constant 0 : i32
    %c0_i32_0 = arith.constant 0 : i32
    %c0_i32_1 = arith.constant 0 : i32
    return %c0_i32, %c0_i32_0 : i32, i32
  }
  func.func @transform_3(%arg0: i32) -> (i32, i32) {
    %c0_i32 = arith.constant 0 : i32
    %c0_i32_0 = arith.constant 0 : i32
    %c0_i32_1 = arith.constant 0 : i32
    return %c0_i32, %c0_i32_0 : i32, i32
  }
  func.func @transform_4(%arg0: i32) -> (i32, i32) {
    %c0_i32 = arith.constant 0 : i32
    %c0_i32_0 = arith.constant 0 : i32
    %c0_i32_1 = arith.constant 0 : i32
    return %c0_i32, %c0_i32_0 : i32, i32
  }
  func.func @transform_5(%arg0: i32) -> (i32, i32) {
    %c0_i32 = arith.constant 0 : i32
    %c0_i32_0 = arith.constant 0 : i32
    return %arg0, %c0_i32 : i32, i32
  }
  func.func @transform_6(%arg0: i32) -> (i32, i32) {
    %c0_i32 = arith.constant 0 : i32
    %c0_i32_0 = arith.constant 0 : i32
    return %arg0, %c0_i32 : i32, i32
  }
}

</mosaic_0001>

<sc_bundles>
// kernel: kernel.6.cloned.1.call-start
scs
__scs_entry_jumppad:
0x0: {  	(pc) =	sbr.rel $0x88, $3  }
0x1: {  	(tag) =	ssettag $0x0;
	lr =	simm.s32 $0x1  }
0x2: {  	[smem:$0x3F9B] =	sst lr;
	_ =	strace $0xD0000000  }
0x3: {  	_ = 	snop  }
0x4: {  	_ = 	snop  }
0x5: {  	_ = 	snop  }
0x6: {  	_ = 	snop  }
0x7: {  	_ = 	snop  }
__scs_overlays_trampoline_lowered:
0x8: {  	[smem:$0x3FAA] =	sst s0  }
0x9: {  	[smem:$0x3FAB] =	sst s1  }
0xa: {  	[smem:$0x3FAC] =	sst s2  }
0xb: {  	[smem:$0x3FAD] =	sst s3  }
0xc: {  	[smem:$0x3FAE] =	sst s4  }
0xd: {  	[smem:$0x3FAF] =	sst s5  }
0xe: {  	[smem:$0x3FB0] =	sst s6  }
0xf: {  	[smem:$0x3FB1] =	sst s7  }
0x10: {  	[smem:$0x3FB2] =	sst s8  }
0x11: {  	[smem:$0x3FB3] =	sst s9;
	s0 =	simm.s32 @!p0 $0x0  }
0x12: {  	s1 =	sld [smem:$0x3F99];
	s0 =	simm.s32 @p0 $0x1  }
0x13: {  	[smem:$0x3FB4] =	sst s0;
	s0 =	simm.s32 @!p1 $0x0  }
0x14: {  	s2 =	sld [smem:$0x3F98];
	s0 =	simm.s32 @p1 $0x1  }
0x15: {  	[smem:$0x3FB5] =	sst s0;
	s0 =	simm.s32 @!p2 $0x0  }
0x16: {  	s3 =	sld [smem:$0x3FDB];
	s0 =	simm.s32 @p2 $0x1  }
0x17: {  	s4 =	simm.s32 $0x1BF5;
	[smem:$0x3FB7] =	sst s0  }
0x18: {  	s0 =	sld [smem:$0x3F9A];
	_ =	swait.ge [sflag:s4], $0x0  }
0x19: {  	s7 =	sld [smem:$0x3F9B]  }
0x1a: {  	s8 =	sadd.s32 $0xFFFFE003, lr  }
0x1b: {  	s9 =	sadd.s32 $0xFFFFFEF7, lr;
	s5 =	simm.s32 $0xFFFFFFFF;
	p2 =	slt.u32 s8, $0xFFFFF086  }
0x1c: {  	p1 =	slt.u32 s9, $0xF7A;
	s5 =	simm.s32 @!p2 $0x0  }
0x1d: {  	s5 =	simm.s32 @p1 $0x1;
	p0 =	seq.s32 s7, s2  }
0x1e: {  	s7 =	smul.u32 @!p0 $0xF7A, s2;
	p2 =	seq.s32 @!p0 s5, $0x0  }
0x1f: {  	s9 =	smul.u32 $0xF7A, s1;
	s8 =	simm.s32 @!p0 $0x1BF5;
	p2 =	por !p2, p0  }
0x20: {  	[sflag:s8] =	ssyncset.s32 @!p0 $0xFFFFF086;
	s6 =	sadd.s32 @!p0 s3, s7;
	s7 =	simm.s32 @!p0 $0x108  }
0x21: {  	s3 =	sadd.s32 s3, s9;
	s6 =	sadd.s32 @!p0 $0x88, s6;
	s7 =	simm.s32 @p2 $0x1082  }
0x22: {  	[simem:s7], [sflag:s8] =	dma.local @!p0 [hbm:s6], $0xF7A  }
0x23: {  	s9 =	sor.u32 $0xD0000000, s2;
	s6 =	simm.s32 $0x108;
	_ =	swait.ge @!p0 [sflag:s8], $0x0  }
0x24: {  	s3 =	sadd.s32 $0x88, s3;
	s6 =	simm.s32 @!p1 $0x1082;
	[sflag:s4] =	ssyncset.s32 $0xFFFFF086  }
0x25: {  	[simem:s6], [sflag:s4] =	dma.local [hbm:s3], $0xF7A  }
0x26: {  	[smem:$0x3F9B] =	sst s1;
	(tag) =	ssettag s2;
	_ =	strace s9  }
0x27: {  	s1 =	sld [smem:$0x3FAB]  }
0x28: {  	s2 =	sld [smem:$0x3FAC]  }
0x29: {  	s4 =	sld [smem:$0x3FAE]  }
0x2a: {  	p0 =	seq.s32 s5, $0x0;
	s5 =	sld [smem:$0x3FAF]  }
0x2b: {  	s6 =	sld [smem:$0x3FB0]  }
0x2c: {  	s7 =	sld [smem:$0x3FB1]  }
0x2d: {  	s3 =	simm.s32 $0x108;
	s8 =	sld [smem:$0x3FB2]  }
0x2e: {  	s3 =	simm.s32 @!p0 $0x1082;
	s9 =	sld [smem:$0x3FB3]  }
0x2f: {  	lr =	sadd.s32 s0, s3;
	s0 =	sld [smem:$0x3FAA]  }
0x30: {  	s3 =	sld [smem:$0x3FAD]  }
0x31: {  	[smem:$0x3FB6] =	sst s10  }
0x32: {  	s10 =	sld [smem:$0x3FB4];
	_ =	sdelay $0x3  }
0x33: {  	p0 =	seq.s32 s10, $0x1;
	s10 =	sld [smem:$0x3FB6];
	_ =	sdelay $0x3  }
0x34: {  	[smem:$0x3FB6] =	sst s10  }
0x35: {  	s10 =	sld [smem:$0x3FB5];
	_ =	sdelay $0x3  }
0x36: {  	p1 =	seq.s32 s10, $0x1;
	s10 =	sld [smem:$0x3FB6];
	_ =	sdelay $0x3  }
0x37: {  	[smem:$0x3FB6] =	sst s10  }
0x38: {  	s10 =	sld [smem:$0x3FB7]  }
0x39: {  	_ = 	snop;
	(pc) =	sbr.ind lr, $3  }
0x3a: {  	_ = 	snop  }
0x3b: {  	_ = 	snop  }
0x3c: {  	p2 =	seq.s32 s10, $0x1;
	s10 =	sld [smem:$0x3FB6]  }
0x3d: {  	_ =	shalt  }
0x3e: {  	_ =	shalt  }
0x3f: {  	_ =	shalt  }
0x40: {  	_ =	shalt  }
0x41: {  	_ =	shalt  }
0x42: {  	_ =	shalt  }
0x43: {  	_ =	shalt  }
0x44: {  	_ =	shalt  }
0x45: {  	_ =	shalt  }
0x46: {  	_ =	shalt  }
0x47: {  	_ =	shalt  }
0x48: {  	_ =	shalt  }
0x49: {  	_ =	shalt  }
0x4a: {  	_ =	shalt  }
0x4b: {  	_ =	shalt  }
0x4c: {  	_ =	shalt  }
0x4d: {  	_ =	shalt  }
0x4e: {  	_ =	shalt  }
0x4f: {  	_ =	shalt  }
0x50: {  	_ =	shalt  }
0x51: {  	_ =	shalt  }
0x52: {  	_ =	shalt  }
0x53: {  	_ =	shalt  }
0x54: {  	_ =	shalt  }
0x55: {  	_ =	shalt  }
0x56: {  	_ =	shalt  }
0x57: {  	_ =	shalt  }
0x58: {  	_ =	shalt  }
0x59: {  	_ =	shalt  }
0x5a: {  	_ =	shalt  }
0x5b: {  	_ =	shalt  }
0x5c: {  	_ =	shalt  }
0x5d: {  	_ =	shalt  }
0x5e: {  	_ =	shalt  }
0x5f: {  	_ =	shalt  }
0x60: {  	_ =	shalt  }
0x61: {  	_ =	shalt  }
0x62: {  	_ =	shalt  }
0x63: {  	_ =	shalt  }
0x64: {  	_ =	shalt  }
0x65: {  	_ =	shalt  }
0x66: {  	_ =	shalt  }
0x67: {  	_ =	shalt  }
0x68: {  	_ =	shalt  }
0x69: {  	_ =	shalt  }
0x6a: {  	_ =	shalt  }
0x6b: {  	_ =	shalt  }
0x6c: {  	_ =	shalt  }
0x6d: {  	_ =	shalt  }
0x6e: {  	_ =	shalt  }
0x6f: {  	_ =	shalt  }
0x70: {  	_ =	shalt  }
0x71: {  	_ =	shalt  }
0x72: {  	_ =	shalt  }
0x73: {  	_ =	shalt  }
0x74: {  	_ =	shalt  }
0x75: {  	_ =	shalt  }
0x76: {  	_ =	shalt  }
0x77: {  	_ =	shalt  }
0x78: {  	_ =	shalt  }
0x79: {  	_ =	shalt  }
0x7a: {  	_ =	shalt  }
0x7b: {  	_ =	shalt  }
0x7c: {  	_ =	shalt  }
0x7d: {  	_ =	shalt  }
0x7e: {  	_ =	shalt  }
0x7f: {  	_ =	shalt  }
0x80: {  	_ =	shalt  }
0x81: {  	_ =	shalt  }
0x82: {  	_ =	shalt  }
0x83: {  	_ =	shalt  }
0x84: {  	_ =	shalt  }
0x85: {  	_ =	shalt  }
0x86: {  	_ =	shalt  }
0x87: {  	_ =	shalt  }
.Lfunc_end0:
.L_simem_size_0:
called_computation_lowered:
.L_overlay_start_0:
0x88: {  	s2 =	sld [smem:$0x3FD9]  }
0x89: {  	s3 =	sld [smem:$0x3FFE];
	_ =	sdelay $0x1  }
0x8a: {  	s1 =	srdreg.scid  }
0x8b: {  	s0 =	sand.u32 $0x1, s1  }
0x8c: {  	s14 =	sshll.u32 s0, $0xA;
	s2 =	sadd.s32 s3, s2  }
0x8d: {  	s2 =	sadd.s32 s2, s14  }
0x8e: {  	[smem:$0x3FC2] =	sst s2  }
0x8f: {  	_ = 	snop  }
0x90: {  	s2 =	sld [smem:$0x3FD0];
	_ =	sdelay $0x2  }
0x91: {  	s4 =	simm.s32 $0xA;
	s5 =	simm.s32 $0x10;
	s15 =	sld [smem:$0x3FC6]  }
0x92: {  	[smem:s5], [sflag:s4] =	dma.local [hbm:s2], $0x1  }
0x93: {  	_ =	swait.eq [sflag:s4], $0x1  }
0x94: {  	[sflag:s4] =	ssyncset.done $0x0  }
0x95: {  	[sflag:s4] =	ssyncadd.s32 $0xFFFFFFFF  }
0x96: {  	s16 =	sld [smem:$0x10];
	(tm) =	ssettm $0x1  }
0x97: {  	s17 =	sld [smem:$0x3FFB];
	_ =	sdelay $0x3  }
0x98: {  	_ =	strace s17  }
0x99: {  	s4 =	sld [smem:$0x3FFC];
	_ =	sdelay $0x3  }
0x9a: {  	_ =	strace s4  }
0x9b: {  	s4 =	sld [smem:$0x3FFD];
	_ =	sdelay $0x3  }
0x9c: {  	_ =	strace s4  }
0x9d: {  	_ =	strace $0x8FFFFFFF  }
0x9e: {  	s18 =	sld [smem:$0x3FDB];
	_ =	sdelay $0x1  }
0x9f: {  	s19 =	simm.s32 $_scs_section_size  }
0xa0: {  	s6 =	simm.s32 $_size__tile_overlayer_lowered;
	s7 =	simm.s32 $_tile_overlayer_lowered  }
0xa1: {  	s22 =	simm.s32 $0x1BFF;
	s21 =	sshll.u32 s7, $0x1;
	s4 =	sadd.s32 s19, s18  }
0xa2: {  	s8 =	simm.s32 $0x0;
	s20 =	sshll.u32 s6, $0x1;
	s6 =	sadd.s32 s21, s4  }
0xa3: {  	[timem:s8], [sflag:s22] =	dma.local [hbm:s6], s20  }
0xa4: {  	_ =	swait.ge [sflag:s22], s20  }
0xa5: {  	s5 =	ssub.s32 $0x0, s20;
	[sflag:s22] =	ssyncset.done $0x0  }
0xa6: {  	[sflag:s22] =	ssyncadd.s32 s5;
	_ =	sdelay $0x1  }
0xa7: {  	s23 =	simm.s32 $0x1B8B  }
0xa8: {  	_ =	swait.ge [sflag:s23], $0x1  }
0xa9: {  	[sflag:s23] =	ssyncset.done $0x0  }
0xaa: {  	s25 =	simm.s32 $0x1B8E;
	s24 =	sld [smem:$0x3FFE];
	[sflag:s23] =	ssyncadd.s32 $0xFFFFFFFF  }
0xab: {  	s26 =	simm.s32 $execute0_lowered;
	[smem:$0x3FD2] =	sst s25  }
0xac: {  	s6 =	sshll.u32 s26, $0x1;
	_ =	strace $0x80000046;
	[dreg:$0x1] =	wrdreg $0xFFFFFFFF  }
0xad: {  	s28 =	simm.s32 $_size_execute0_lowered;
	s4 =	sadd.s32 s4, s6;
	[dreg:$0x0] =	wrdreg $0x0  }
0xae: {  	s6 =	sshll.u32 s28, $0x1;
	[dreg:$0x2] =	wrdreg s4  }
0xaf: {  	[dreg:$0x3] =	wrdreg s6  }
0xb0: {  	[dreg:$0x4] =	wrdreg $0xC0  }
0xb1: {  	_ =	task [dreg:s8], $0x5FFFF  }
0xb2: {  	[dreg:$0x1] =	wrdreg $0xFFFFFFFF  }
0xb3: {  	[dreg:$0x0] =	wrdreg $0x60  }
0xb4: {  	[dreg:$0x2] =	wrdreg s15  }
0xb5: {  	[dreg:$0x3] =	wrdreg s24  }
0xb6: {  	[dreg:$0x4] =	wrdreg s16  }
0xb7: {  	[dreg:$0x5] =	wrdreg $0x9  }
0xb8: {  	_ =	task.clear_ibuf [dreg:s8], $0x6FFFF;
	_ =	strace $0x90000046  }
0xb9: {  	s29 =	simm.s32 $0x9;
	_ =	strace $0x80000048  }
0xba: {  	_ =	swait.ge [sflag:s29], $0x1  }
0xbb: {  	[sflag:s29] =	ssyncadd.s32 $0xFFFFFFFF  }
0xbc: {  	_ =	strace $0x90000048  }
0xbd: {  	_ =	sfence  }
0xbe: {  	s30 =	sld [smem:$0x0];
	_ =	sdelay $0x2  }
0xbf: {  	s31 =	sshll.u32 s1, $0xD;
	s1 =	sshrl.u32 s1, $0x2  }
0xc0: {  	s3 =	sand.u32 $0x4000, s31;
	s1 =	sadd.s32 s1, s30  }
0xc1: {  	s0 =	sor.u32 s3, s0;
	s1 =	sshll.u32 s1, $0x11  }
0xc2: {  	s0 =	sor.u32 s1, s0  }
0xc3: {  	s0 =	sadd.s32 $0x8F2B, s0  }
0xc4: {  	[sflag:s0] =	ssyncadd.remote.s32 $0x1  }
0xc5: {  	_ =	sfence.sel $0xFFFF  }
0xc6: {  	[dreg:$0x0] =	wrdreg $0xFFFFFFFF;
	(pc) =	sbr.abs _section_cstart, $3  }
0xc7: {  	[dreg:$0x1] =	wrdreg $0xFFFFFFFF  }
0xc8: {  	_ =	task.clear_ibuf [dreg:s8], $0x2FFFF;
	_ =	strace $0x9FFFFFFF  }
0xc9: {  	(tm) =	ssettm $0x7FFFFFFF  }
tec
execute0_lowered:
.L_overlay_start_1:
0x0: {  	(tag) =	ssettag $0x1  }
0x1: {  	s1 =	rddreg [dreg:$0x0]  }
0x2: {  	s4 =	rddreg [dreg:$0x1];
	s2 =	srdreg.scid  }
0x3: {  	s0 =	stileid.u32;
	s7 =	rddreg [dreg:$0x2];
	s3 =	simm.s32 $0x0  }
0x4: {  	s12 =	simm.s32 $0x900;
	s13 =	simm.s32 $0x1100;
	s14 =	simm.s32 $0x1900  }
0x5: {  	s15 =	simm.s32 $0x2100;
	s16 =	simm.s32 $0x2900;
	s17 =	simm.s32 $0x3100  }
0x6: {  	s18 =	simm.s32 $0x3900;
	s19 =	simm.s32 $0x4100;
	s20 =	simm.s32 $0x4900  }
0x7: {  	s21 =	simm.s32 $0x5100;
	s22 =	simm.s32 $0x5900;
	s23 =	simm.s32 $0x6100  }
0x8: {  	s24 =	simm.s32 $0x6900;
	s28 =	simm.s32 $0x8100;
	s29 =	simm.s32 $0x8900  }
0x9: {  	s5 =	sand.u32 $0x1, s2;
	s6 =	sshll.u32 s0, $0x1;
	s2 =	rddreg [dreg:$0x3]  }
0xa: {  	s30 =	simm.s32 $0x1;
	[smem:$0x7FF] =	sst s3;
	s6 =	sor.u32 s5, s6  }
0xb: {  	s10 =	sadd.s32 $0x1200, s4;
	s5 =	ssub.s32 $0x2, s5;
	s8 =	smul.u32 $0x90, s6  }
0xc: {  	_ =	strace $0x80000047;
	s9 =	sshrl.u32 s5, $0x1;
	s6 =	smul.u32 $0x1200, s6  }
0xd: {  	s9 =	ssub.s32 s5, s9;
	s11 =	sadd.s32 $0x48, s8;
	s25 =	sshrl.u32 s8, $0x3  }
0xe: {  	s6 =	sadd.s32 s7, s6;
	s8 =	smax.u32 s9, $0x1;
	s9 =	simm.s32 $0x2  }
0xf: {  	v2 =	vlaneseq.u32;
	s26 =	sshrl.u32 s11, $0x3;
	s4 =	sadd.s32 s10, s25;
	s31 =	sshll.u32 s11, $0x5  }
0x10: {  	vm0 =	vmmov $0xffff;
	v1 =	vshrl.u32 v2, $0x3;
	s11 =	simm.s32 $0x100;
	s25 =	simm.s32 $0x7100;
	s5 =	sadd.s32 s10, s26  }
0x11: {  	v0 =	vand.u32 $0x7, v2;
	v2 =	vor.u32 $0x8, v2;
	v1 =	vmul.u32 $0x8, v1;
	s7 =	sadd.s32 s7, s31;
	s10 =	simm.s32 $0x80;
	s26 =	simm.s32 $0x7900  }
.LBB2_1:
0x12: {  	[tilespmem:s3], [sflag:$0x2] =	stream.linear.gather [hbm4b:s4+s3], $0x48, $0x38;
	[tilespmem:$0x9100] =	vst v63  }
0x13: {  	_ =	swait.ge [sflag:s9], $0x48  }
0x14: {  	[sflag:s9] =	ssyncset.done $0x0  }
0x15: {  	[sflag:s9] =	ssyncadd.s32 $0xFFFFFFB8  }
0x16: {  	[tilespmem:s10], [sflag:$0x2] =	stream.linear.gather [hbm4b:s5+s3], $0x48, $0x38;
	[tilespmem:$0x9100] =	vst v63  }
0x17: {  	_ =	swait.ge [sflag:s9], $0x48  }
0x18: {  	[sflag:s9] =	ssyncset.done $0x0  }
0x19: {  	[sflag:s9] =	ssyncadd.s32 $0xFFFFFFB8  }
0x1a: {  	v3 =	vld [tilespmem:$0x0];
	_ =	sdelay $0x4  }
0x1b: {  	v4 =	vshll.u32 v3, $0x1  }
0x1c: {  	v3 =	vand.u32 $0x7, v3;
	v4 =	vand.u32 $0xFFFFFFF0, v4  }
0x1d: {  	v3 =	vor.u32 v3, v4  }
0x1e: {  	v4 =	vperm.xlane v3, v0;
	_ =	sdelay $0x1  }
0x1f: {  	v3 =	vperm.xlane v3, v2;
	v4 =	vadd.s32 v1, v4;
	_ =	sdelay $0x1  }
0x20: {  	v3 =	vadd.s32 v1, v3;
	_ =	sdelay $0x2  }
0x21: {  	[tilespmem:s11], [sflag:$0x1] =	stream.indirect_vreg.gather [hbm4b:s1+s3], $0x80, v4, vm0, $0xb8;
	[tilespmem:$0x9100] =	vst v63  }
0x22: {  	_ = 	snop  }
0x23: {  	[tilespmem:s12], [sflag:$0x1] =	stream.indirect_vreg.gather [hbm4b:s1+s3], $0x80, v3, vm0, $0xb8;
	[tilespmem:$0x9100] =	vst v63  }
0x24: {  	v3 =	vld [tilespmem:$0x10];
	_ =	sdelay $0x4  }
0x25: {  	v55 =	vshll.u32 v3, $0x1  }
0x26: {  	v3 =	vand.u32 $0x7, v3;
	v4 =	vand.u32 $0xFFFFFFF0, v55  }
0x27: {  	v3 =	vor.u32 v3, v4  }
0x28: {  	v4 =	vperm.xlane v3, v0;
	_ =	sdelay $0x1  }
0x29: {  	v3 =	vperm.xlane v3, v2;
	v4 =	vadd.s32 v1, v4;
	_ =	sdelay $0x1  }
0x2a: {  	v3 =	vadd.s32 v1, v3;
	_ =	sdelay $0x2  }
0x2b: {  	[tilespmem:s13], [sflag:$0x1] =	stream.indirect_vreg.gather [hbm4b:s1+s3], $0x80, v4, vm0, $0xb8;
	[tilespmem:$0x9100] =	vst v63  }
0x2c: {  	_ = 	snop  }
0x2d: {  	[tilespmem:s14], [sflag:$0x1] =	stream.indirect_vreg.gather [hbm4b:s1+s3], $0x80, v3, vm0, $0xb8;
	[tilespmem:$0x9100] =	vst v63  }
0x2e: {  	v3 =	vld [tilespmem:$0x20];
	_ =	sdelay $0x4  }
0x2f: {  	v56 =	vshll.u32 v3, $0x1  }
0x30: {  	v3 =	vand.u32 $0x7, v3;
	v4 =	vand.u32 $0xFFFFFFF0, v56  }
0x31: {  	v3 =	vor.u32 v3, v4  }
0x32: {  	v4 =	vperm.xlane v3, v0;
	_ =	sdelay $0x1  }
0x33: {  	v3 =	vperm.xlane v3, v2;
	v4 =	vadd.s32 v1, v4;
	_ =	sdelay $0x1  }
0x34: {  	v3 =	vadd.s32 v1, v3;
	_ =	sdelay $0x2  }
0x35: {  	[tilespmem:s15], [sflag:$0x1] =	stream.indirect_vreg.gather [hbm4b:s1+s3], $0x80, v4, vm0, $0xb8;
	[tilespmem:$0x9100] =	vst v63  }
0x36: {  	_ = 	snop  }
0x37: {  	[tilespmem:s16], [sflag:$0x1] =	stream.indirect_vreg.gather [hbm4b:s1+s3], $0x80, v3, vm0, $0xb8;
	[tilespmem:$0x9100] =	vst v63  }
0x38: {  	v3 =	vld [tilespmem:$0x30];
	_ =	sdelay $0x4  }
0x39: {  	v57 =	vshll.u32 v3, $0x1  }
0x3a: {  	v3 =	vand.u32 $0x7, v3;
	v4 =	vand.u32 $0xFFFFFFF0, v57  }
0x3b: {  	v3 =	vor.u32 v3, v4  }
0x3c: {  	v4 =	vperm.xlane v3, v0;
	_ =	sdelay $0x1  }
0x3d: {  	v3 =	vperm.xlane v3, v2;
	v4 =	vadd.s32 v1, v4;
	_ =	sdelay $0x1  }
0x3e: {  	v3 =	vadd.s32 v1, v3;
	_ =	sdelay $0x2  }
0x3f: {  	[tilespmem:s17], [sflag:$0x1] =	stream.indirect_vreg.gather [hbm4b:s1+s3], $0x80, v4, vm0, $0xb8;
	[tilespmem:$0x9100] =	vst v63  }
0x40: {  	_ = 	snop  }
0x41: {  	[tilespmem:s18], [sflag:$0x1] =	stream.indirect_vreg.gather [hbm4b:s1+s3], $0x80, v3, vm0, $0xb8;
	[tilespmem:$0x9100] =	vst v63  }
0x42: {  	v3 =	vld.msk [tilespmem:$0x40], $0xff;
	_ =	sdelay $0x4  }
0x43: {  	v58 =	vshll.u32 v3, $0x1  }
0x44: {  	v3 =	vand.u32 $0x7, v3;
	v4 =	vand.u32 $0xFFFFFFF0, v58  }
0x45: {  	v3 =	vor.u32 v3, v4  }
0x46: {  	v3 =	vperm.xlane v3, v0;
	_ =	sdelay $0x1  }
0x47: {  	v3 =	vadd.s32 v1, v3;
	_ =	sdelay $0x4  }
0x48: {  	[tilespmem:s19], [sflag:$0x1] =	stream.indirect_vreg.gather [hbm4b:s1+s3], $0x80, v3, vm0, $0xb8;
	[tilespmem:$0x9100] =	vst v63  }
0x49: {  	v3 =	vld [tilespmem:$0x80];
	_ =	sdelay $0x4  }
0x4a: {  	v59 =	vshll.u32 v3, $0x1  }
0x4b: {  	v3 =	vand.u32 $0x7, v3;
	v4 =	vand.u32 $0xFFFFFFF0, v59  }
0x4c: {  	v3 =	vor.u32 v3, v4  }
0x4d: {  	v4 =	vperm.xlane v3, v0;
	_ =	sdelay $0x1  }
0x4e: {  	v3 =	vperm.xlane v3, v2;
	v4 =	vadd.s32 v1, v4;
	_ =	sdelay $0x1  }
0x4f: {  	v3 =	vadd.s32 v1, v3;
	_ =	sdelay $0x2  }
0x50: {  	[tilespmem:s20], [sflag:$0x1] =	stream.indirect_vreg.gather [hbm4b:s1+s3], $0x80, v4, vm0, $0xb8;
	[tilespmem:$0x9100] =	vst v63  }
0x51: {  	_ = 	snop  }
0x52: {  	[tilespmem:s21], [sflag:$0x1] =	stream.indirect_vreg.gather [hbm4b:s1+s3], $0x80, v3, vm0, $0xb8;
	[tilespmem:$0x9100] =	vst v63  }
0x53: {  	v3 =	vld [tilespmem:$0x90];
	_ =	sdelay $0x4  }
0x54: {  	v60 =	vshll.u32 v3, $0x1  }
0x55: {  	v3 =	vand.u32 $0x7, v3;
	v4 =	vand.u32 $0xFFFFFFF0, v60  }
0x56: {  	v3 =	vor.u32 v3, v4  }
0x57: {  	v4 =	vperm.xlane v3, v0;
	_ =	sdelay $0x1  }
0x58: {  	v3 =	vperm.xlane v3, v2;
	v4 =	vadd.s32 v1, v4;
	_ =	sdelay $0x1  }
0x59: {  	v3 =	vadd.s32 v1, v3;
	_ =	sdelay $0x2  }
0x5a: {  	[tilespmem:s22], [sflag:$0x1] =	stream.indirect_vreg.gather [hbm4b:s1+s3], $0x80, v4, vm0, $0xb8;
	[tilespmem:$0x9100] =	vst v63  }
0x5b: {  	_ = 	snop  }
0x5c: {  	[tilespmem:s23], [sflag:$0x1] =	stream.indirect_vreg.gather [hbm4b:s1+s3], $0x80, v3, vm0, $0xb8;
	[tilespmem:$0x9100] =	vst v63  }
0x5d: {  	v3 =	vld [tilespmem:$0xA0];
	_ =	sdelay $0x4  }
0x5e: {  	v61 =	vshll.u32 v3, $0x1  }
0x5f: {  	v3 =	vand.u32 $0x7, v3;
	v4 =	vand.u32 $0xFFFFFFF0, v61  }
0x60: {  	v3 =	vor.u32 v3, v4  }
0x61: {  	v4 =	vperm.xlane v3, v0;
	_ =	sdelay $0x1  }
0x62: {  	v3 =	vperm.xlane v3, v2;
	v4 =	vadd.s32 v1, v4;
	_ =	sdelay $0x1  }
0x63: {  	v3 =	vadd.s32 v1, v3;
	_ =	sdelay $0x2  }
0x64: {  	[tilespmem:s24], [sflag:$0x1] =	stream.indirect_vreg.gather [hbm4b:s1+s3], $0x80, v4, vm0, $0xb8;
	[tilespmem:$0x9100] =	vst v63  }
0x65: {  	_ = 	snop  }
0x66: {  	[tilespmem:s25], [sflag:$0x1] =	stream.indirect_vreg.gather [hbm4b:s1+s3], $0x80, v3, vm0, $0xb8;
	[tilespmem:$0x9100] =	vst v63  }
0x67: {  	v3 =	vld [tilespmem:$0xB0];
	_ =	sdelay $0x4  }
0x68: {  	v62 =	vshll.u32 v3, $0x1  }
0x69: {  	v3 =	vand.u32 $0x7, v3;
	v4 =	vand.u32 $0xFFFFFFF0, v62  }
0x6a: {  	v3 =	vor.u32 v3, v4  }
0x6b: {  	v4 =	vperm.xlane v3, v0;
	_ =	sdelay $0x1  }
0x6c: {  	v3 =	vperm.xlane v3, v2;
	v4 =	vadd.s32 v1, v4;
	_ =	sdelay $0x1  }
0x6d: {  	v3 =	vadd.s32 v1, v3;
	_ =	sdelay $0x2  }
0x6e: {  	[tilespmem:s26], [sflag:$0x1] =	stream.indirect_vreg.gather [hbm4b:s1+s3], $0x80, v4, vm0, $0xb8;
	[tilespmem:$0x9100] =	vst v63  }
0x6f: {  	_ = 	snop  }
0x70: {  	[tilespmem:s28], [sflag:$0x1] =	stream.indirect_vreg.gather [hbm4b:s1+s3], $0x80, v3, vm0, $0xb8;
	[tilespmem:$0x9100] =	vst v63  }
0x71: {  	v3 =	vld.msk [tilespmem:$0xC0], $0xff;
	_ =	sdelay $0x4  }
0x72: {  	v63 =	vshll.u32 v3, $0x1  }
0x73: {  	v3 =	vand.u32 $0x7, v3;
	v4 =	vand.u32 $0xFFFFFFF0, v63  }
0x74: {  	v3 =	vor.u32 v3, v4  }
0x75: {  	v3 =	vperm.xlane v3, v0;
	_ =	sdelay $0x1  }
0x76: {  	v3 =	vadd.s32 v1, v3;
	_ =	sdelay $0x4  }
0x77: {  	[tilespmem:s29], [sflag:$0x1] =	stream.indirect_vreg.gather [hbm4b:s1+s3], $0x80, v3, vm0, $0xb8;
	[tilespmem:$0x9100] =	vst v63  }
0x78: {  	_ =	swait.ge [sflag:s30], $0x4800  }
0x79: {  	[sflag:s30] =	ssyncset.done $0x0  }
0x7a: {  	[sflag:s30] =	ssyncadd.s32 $0xFFFFB800  }
0x7b: {  	_ =	swait.ge [sflag:s30], $0x4800  }
0x7c: {  	[sflag:s30] =	ssyncset.done $0x0  }
0x7d: {  	[sflag:s30] =	ssyncadd.s32 $0xFFFFB800  }
0x7e: {  	[hbm4b:s6+s3] =	stream.linear.scatter [tilespmem:s11], [sflag:$0x2], $0x4800, $0x38;
	[tilespmem:$0x9100] =	vst v63  }
0x7f: {  	_ =	swait.ge [sflag:s9], $0x4800  }
0x80: {  	p0 =	sne.s32 s8, $0x1;
	[sflag:s9] =	ssyncset.done $0x0  }
.Ltmp0:
0x81: {  	[sflag:s9] =	ssyncadd.s32 $0xFFFFB800;
	(pc) =	sbr.rel @p0 .LBB2_1-.Ltmp0, $4  }
0x82: {  	[hbm4b:s7+s3] =	stream.linear.scatter [tilespmem:s20], [sflag:$0x2], $0x4800, $0x38;
	[tilespmem:$0x9100] =	vst v63  }
0x83: {  	_ =	swait.ge [sflag:s9], $0x4800  }
0x84: {  	[sflag:s9] =	ssyncset.done $0x0  }
0x85: {  	s8 =	sadd.s32 $0xFFFFFFFF, s8;
	[sflag:s9] =	ssyncadd.s32 $0xFFFFB800  }
0x86: {  	_ =	sfence.sel $0x180000  }
0x87: {  	[bflag:$0x0] =	sbarrier.arrive $0xFFFF  }
0x88: {  	p0 =	sne.s32 s0, $0x0;
	_ =	strace $0x90000047  }
0x89: {  	s0 =	sadd.s32 @!p0 $0x100000, s2;
	[bflag:$0x2] =	sbarrier.arrive $0xFFFF  }
0x8a: {  	[sflag:s0] =	ssyncadd.tile.s32 @!p0 $0x1;
	_ =	shalt  }
.Lfunc_end2:
_tile_overlayer_lowered:
.L_overlay_start_2:
0x8b: {  	(tag) =	ssettag $0x2  }
0x8c: {  	s0 =	rddreg [dreg:$0x0];
	s2 =	stileid.u32  }
0x8d: {  	s1 =	rddreg [dreg:$0x1];
	p0 =	sne.s32 s2, $0x0  }
0x8e: {  	s3 =	rddreg [dreg:$0x2];
	[bflag:$0x3] =	sbarrier.arrive $0xFFFF;
	s2 =	simm.s32 @!p0 $0x1C02  }
0x8f: {  	[timem:s3], [sflag:s2] =	dma.local @!p0 [hbm:s0], s1  }
0x90: {  	s0 =	simm.s32 @!p0 $0x2  }
0x91: {  	_ =	swait.ge @!p0 [sflag:s0], s1  }
0x92: {  	s1 =	ssub.s32 @!p0 $0x0, s1;
	[sflag:s0] =	ssyncset.done @!p0 $0x0  }
0x93: {  	[sflag:s0] =	ssyncadd.s32 @!p0 s1  }
0x94: {  	[bflag:$0x3] =	sbarrier.arrive $0xFFFF  }
0x95: {  	_ =	shalt  }

</sc_bundles>
